<compile_context>
chip_gen: v7x
topology: tpu7x:2x2x1
jax: 0.10.2.dev20260603
libtpu: 0.0.44.dev20260713+nightly
codegen_flags: <defaults>
</compile_context>

<pallas_src>
import functools

import jax
import jax.numpy as jnp
from jax import lax
from jax.experimental import pallas as pl
from jax.experimental.pallas import tpu as pltpu
from jax.experimental.pallas import tpu_sc as plsc


def _greedy_sc(xT):
    V, U, B = xT.shape
    info = plsc.get_sparse_core_info()
    NC, NS, L = info.num_cores, info.num_subcores, info.num_lanes
    NW = NC * NS
    SPW = B // NW
    NG = SPW // L
    mesh = plsc.VectorSubcoreMesh(core_axis_name="c", subcore_axis_name="s")

    @functools.partial(
        pl.kernel,
        out_type=(
            jax.ShapeDtypeStruct((B,), jnp.float32),
            jax.ShapeDtypeStruct((V, B), jnp.int32),
        ),
        mesh=mesh,
        scratch_types=(
            [pltpu.VMEM((U, SPW), jnp.float32) for _ in range(2)]
            + [
                pltpu.VMEM((U, SPW), jnp.float32),
                pltpu.VMEM((V, SPW), jnp.int32),
                pltpu.VMEM((SPW,), jnp.float32),
            ]
            + [pltpu.SemaphoreType.DMA for _ in range(2)]
        ),
        compiler_params=pltpu.CompilerParams(
            needs_layout_passes=False, use_tc_tiling_on_sc=False
        ),
    )
    def greedy(xT_hbm, size_hbm, seq_hbm, st0, st1, mbuf, seqacc, sizebuf,
               sem0, sem1):
        stages = (st0, st1)
        sems = (sem0, sem1)
        wid = lax.axis_index("s") * NC + lax.axis_index("c")
        base = wid * SPW
        iota = lax.iota(jnp.int32, L)
        zero_v = jnp.zeros((L,), jnp.float32)
        neg2_v = jnp.full((L,), -2.0, dtype=jnp.float32)

        @pl.loop(0, U)
        def zero_m(r):
            for g in range(NG):
                mbuf[r, pl.ds(g * L, L)] = zero_v

        def start(slot, t):
            pltpu.async_copy(
                xT_hbm.at[t, :, pl.ds(base, SPW)], stages[slot], sems[slot]
            )

        def wait(slot):
            pltpu.make_async_copy(
                xT_hbm.at[0, :, pl.ds(base, SPW)], stages[slot], sems[slot]
            ).wait()

        def step(slot, t, sizes):
            stg = stages[slot]
            t_vec = jnp.full((L,), t, dtype=jnp.int32)
            new_sizes = []
            for g in range(NG):
                c = g * L
                bv0 = stg[0, pl.ds(c, L)]
                bi0 = jnp.zeros((L,), jnp.int32)

                @pl.loop(
                    1, U - ((U - 1) % 8), step=8, init_carry=(bv0, bi0)
                )
                def scan_u(u0, carry):
                    bv, bi = carry
                    for du in range(8):
                        u = u0 + du
                        wv = stg[u, pl.ds(c, L)] + mbuf[u, pl.ds(c, L)]
                        tk = wv > bv
                        bv = jnp.where(tk, wv, bv)
                        bi = jnp.where(tk, u.astype(jnp.int32), bi)
                    return bv, bi

                bv, bi = scan_u
                for u in range(U - ((U - 1) % 8), U):
                    wv = stg[u, pl.ds(c, L)] + mbuf[u, pl.ds(c, L)]
                    tk = wv > bv
                    bv = jnp.where(tk, wv, bv)
                    bi = jnp.where(tk, jnp.int32(u), bi)
                new_sizes.append(sizes[g] - bv)
                plsc.store_scatter(
                    mbuf, [bi, iota + c], neg2_v, mask=bi != 0
                )
                plsc.store_scatter(seqacc, [t_vec, iota + c], bi)
            return tuple(new_sizes)

        start(0, 0)
        start(1, 1)

        def pair(i, sizes):
            tt = 2 * i
            wait(0)
            sizes = step(0, tt, sizes)

            @pl.when(tt + 2 < V)
            def _pf0():
                start(0, tt + 2)

            wait(1)
            sizes = step(1, tt + 1, sizes)

            @pl.when(tt + 3 < V)
            def _pf1():
                start(1, tt + 3)

            return sizes

        sizes = lax.fori_loop(
            0, V // 2, pair, tuple(zero_v for _ in range(NG))
        )
        for g in range(NG):
            sizebuf[pl.ds(g * L, L)] = sizes[g]
        pltpu.sync_copy(seqacc, seq_hbm.at[:, pl.ds(base, SPW)])
        pltpu.sync_copy(sizebuf, size_hbm.at[pl.ds(base, SPW)])

    return greedy(xT)


def kernel(x, u_size, v_size):
    del u_size, v_size
    xT = jnp.transpose(x, (1, 2, 0))
    neg_size, seqsT = _greedy_sc(xT)
    return neg_size, jnp.transpose(seqsT, (1, 0))

# --- scband reference (transcript-rebuilt; emitter-appended) ---
"""Pipeline reference for scband-greedy-15788299780304 (READ-ONLY COPY).

The authoritative reference and input builder live on the scoring server;
editing this copy changes nothing except your own understanding.
"""

import jax, jax.numpy as jnp
import numpy as np


def setup_inputs(seed: int = 0) -> dict:
    key = jax.random.key(seed)
    B, V, U1 = 1024, 100, 101
    x = jax.random.uniform(key, (B, V, U1), dtype=jnp.float32)
    # index 0 is the 'skip' option with weight 0, as in the obm problem state
    x = x.at[:, :, 0].set(0.0)
    return {"x": x, "u_size": 100, "v_size": 100}


def reference(x, u_size, v_size):
    # Faithful jax translation of Greedy.forward for the bipartite (e-obm) problem:
    # at each arriving node t, take current weights w [B, u_size+1], mask already
    # matched fixed nodes by writing -1.0, greedily argmax, update matched set and
    # accumulate matching size; finally return (-size, sequences).
    B = x.shape[0]
    U = x.shape[2]
    xs = jnp.swapaxes(x, 0, 1)  # [v_size, B, U] : weights of each arriving node
    matched0 = jnp.zeros((B, U), dtype=jnp.bool_)
    size0 = jnp.zeros((B,), dtype=x.dtype) + jnp.asarray(u_size + v_size, dtype=x.dtype) * 0

    def step(carry, w_t):
        matched, size = carry
        # w[mask.bool()] = -1.0
        w = jnp.where(matched, jnp.asarray(-1.0, dtype=w_t.dtype), w_t)
        # selected = torch.argmax(w, dim=1)
        sel = jnp.argmax(w, axis=1)
        gathered = jnp.take_along_axis(w, sel[:, None], axis=1)[:, 0]
        # state.update: skip (index 0) adds no weight and matches nothing
        size = size + jnp.where(sel == 0, jnp.asarray(0.0, dtype=w.dtype), gathered)
        oh = jax.nn.one_hot(sel, U, dtype=jnp.bool_)
        matched = matched | (oh & (sel != 0)[:, None])
        return (matched, size), sel

    (matched, size), seqs = jax.lax.scan(step, (matched0, size0), xs)
    sequences = jnp.swapaxes(seqs, 0, 1)  # torch.stack(sequences, 1)
    return (-size, sequences)

if __name__ == "__main__":
    import jax
    _d = setup_inputs()
    print(jax.jit(kernel)(*tuple(_d.values())))

</pallas_src>

<mosaic_0001>
#map = affine_map<(d0, d1) -> (0, 0, 0)>
#map1 = affine_map<(d0, d1) -> (0)>
#map2 = affine_map<(d0, d1) -> (0, 0)>
module attributes {stable_mosaic.version = 14 : i64} {
  func.func @greedy(%arg0: i32, %arg1: i32, %arg2: memref<100x101x1024xf32, #tpu.memory_space<hbm>>, %arg3: memref<1024xf32, #tpu.memory_space<hbm>>, %arg4: memref<100x1024xi32, #tpu.memory_space<hbm>>, %arg5: memref<101x32xf32, #tpu.memory_space<vmem>>, %arg6: memref<101x32xf32, #tpu.memory_space<vmem>>, %arg7: memref<101x32xf32, #tpu.memory_space<vmem>>, %arg8: memref<100x32xi32, #tpu.memory_space<vmem>>, %arg9: memref<32xf32, #tpu.memory_space<vmem>>, %arg10: memref<!tpu.dma_semaphore, #tpu.memory_space<semaphore_mem>>, %arg11: memref<!tpu.dma_semaphore, #tpu.memory_space<semaphore_mem>>) attributes {dimension_semantics = [#tpu.dimension_semantics<core_parallel>, #tpu.dimension_semantics<subcore_parallel>], iteration_bounds = array<i64: 2, 16>, scalar_prefetch = 0 : i64, scratch_operands = 7 : i64, tpu.core_type = #tpu.core_type<sc_vector_subcore>, window_params = [{transform_indices = #map}, {transform_indices = #map1}, {transform_indices = #map2}]} {
    %mul3A = arith.constant 2 : i32
    %mul3A_0 = arith.muli %arg1, %mul3A : i32
    %add3A = arith.addi %mul3A_0, %arg0 : i32
    %mul3A_1 = arith.constant 32 : i32
    %mul3A_2 = arith.muli %add3A, %mul3A_1 : i32
    %iota3A = tpu.iota {dimensions = array<i32: 0>} : vector<16xi32>
    %broadcast_in_dim3A = arith.constant 0.000000e+00 : f32
    %broadcast_in_dim3A_3 = vector.broadcast %broadcast_in_dim3A : f32 to vector<16xf32>
    %broadcast_in_dim3A_4 = arith.constant -2.000000e+00 : f32
    %broadcast_in_dim3A_5 = vector.broadcast %broadcast_in_dim3A_4 : f32 to vector<16xf32>
    %scan3A = arith.constant 0 : i32
    %scan3A_6 = arith.constant 101 : i32
    %scan3A_7 = arith.addi %scan3A, %scan3A_6 : i32
    %scan3A_8 = arith.constant 1 : i32
    scf.for %scan3A_32 = %scan3A to %scan3A_7 step %scan3A_8  : i32 {
      %mul3A_33 = arith.constant 1 : i32
      %mul3A_34 = arith.muli %scan3A_32, %mul3A_33 : i32
      %add3A_35 = arith.constant 0 : i32
      %add3A_36 = arith.addi %add3A_35, %mul3A_34 : i32
      %swap3A_37 = arith.index_cast %add3A_36 : i32 to index
      %swap3A_38 = arith.constant 0 : index
      %swap3A_39 = tpu.vector_load %arg7[%swap3A_37, %swap3A_38] {strides = array<i32>} : memref<101x32xf32, #tpu.memory_space<vmem>>, vector<16xf32>,
      tpu.vector_store %arg7[%swap3A_37, %swap3A_38], %broadcast_in_dim3A_3 {strides = array<i32>} : memref<101x32xf32, #tpu.memory_space<vmem>>, vector<16xf32>,
      %swap3A_40 = arith.index_cast %add3A_36 : i32 to index
      %swap3A_41 = arith.constant 16 : index
      %swap3A_42 = tpu.vector_load %arg7[%swap3A_40, %swap3A_41] {strides = array<i32>} : memref<101x32xf32, #tpu.memory_space<vmem>>, vector<16xf32>,
      tpu.vector_store %arg7[%swap3A_40, %swap3A_41], %broadcast_in_dim3A_3 {strides = array<i32>} : memref<101x32xf32, #tpu.memory_space<vmem>>, vector<16xf32>,
    }
    %scan3A_9 = arith.constant 101 : i32
    %dma_start3A = arith.constant 0 : i32
    %dma_start3A_10 = arith.constant 0 : i32
    %dma_start3A_11 = tpu.memref_slice %arg2[%dma_start3A, %dma_start3A_10, %mul3A_2] : memref<100x101x1024xf32, #tpu.memory_space<hbm>> -> memref<1x101x32xf32, #tpu.memory_space<hbm>>
    %dma_start3A_12 = tpu.memref_squeeze %dma_start3A_11 : memref<1x101x32xf32, #tpu.memory_space<hbm>> -> memref<101x32xf32, #tpu.memory_space<hbm>>
    %dma_start3A_13 = arith.constant 0 : i32
    %dma_start3A_14 = tpu.memref_slice %arg2[%dma_start3A, %dma_start3A_13, %mul3A_2] : memref<100x101x1024xf32, #tpu.memory_space<hbm>> -> memref<1x101x32xf32, #tpu.memory_space<hbm>>
    %dma_start3A_15 = tpu.memref_squeeze %dma_start3A_14 : memref<1x101x32xf32, #tpu.memory_space<hbm>> -> memref<101x32xf32, #tpu.memory_space<hbm>>
    tpu.enqueue_dma source(%dma_start3A_15 : memref<101x32xf32, #tpu.memory_space<hbm>>) target(%arg5 : memref<101x32xf32, #tpu.memory_space<vmem>>) target_semaphore(%arg10 : memref<!tpu.dma_semaphore, #tpu.memory_space<semaphore_mem>>)
    %dma_start3A_16 = arith.constant 1 : i32
    %dma_start3A_17 = arith.constant 0 : i32
    %dma_start3A_18 = tpu.memref_slice %arg2[%dma_start3A_16, %dma_start3A_17, %mul3A_2] : memref<100x101x1024xf32, #tpu.memory_space<hbm>> -> memref<1x101x32xf32, #tpu.memory_space<hbm>>
    %dma_start3A_19 = tpu.memref_squeeze %dma_start3A_18 : memref<1x101x32xf32, #tpu.memory_space<hbm>> -> memref<101x32xf32, #tpu.memory_space<hbm>>
    %dma_start3A_20 = arith.constant 0 : i32
    %dma_start3A_21 = tpu.memref_slice %arg2[%dma_start3A_16, %dma_start3A_20, %mul3A_2] : memref<100x101x1024xf32, #tpu.memory_space<hbm>> -> memref<1x101x32xf32, #tpu.memory_space<hbm>>
    %dma_start3A_22 = tpu.memref_squeeze %dma_start3A_21 : memref<1x101x32xf32, #tpu.memory_space<hbm>> -> memref<101x32xf32, #tpu.memory_space<hbm>>
    tpu.enqueue_dma source(%dma_start3A_22 : memref<101x32xf32, #tpu.memory_space<hbm>>) target(%arg6 : memref<101x32xf32, #tpu.memory_space<vmem>>) target_semaphore(%arg11 : memref<!tpu.dma_semaphore, #tpu.memory_space<semaphore_mem>>)
    %scan3A_23 = arith.constant 0 : i32
    %scan3A_24 = arith.constant 50 : i32
    %scan3A_25 = arith.addi %scan3A_23, %scan3A_24 : i32
    %scan3A_26 = arith.constant 1 : i32
    %scan3A_27:2 = scf.for %scan3A_32 = %scan3A_23 to %scan3A_25 step %scan3A_26 iter_args(%scan3A_33 = %broadcast_in_dim3A_3, %scan3A_34 = %broadcast_in_dim3A_3) -> (vector<16xf32>, vector<16xf32>)  : i32 {
      %mul3A_35 = arith.constant 2 : i32
      %mul3A_36 = arith.muli %mul3A_35, %scan3A_32 : i32
      %dma_wait3A = arith.constant 0 : i32
      %dma_wait3A_37 = arith.constant 0 : i32
      %dma_wait3A_38 = tpu.memref_slice %arg2[%dma_wait3A, %dma_wait3A_37, %mul3A_2] : memref<100x101x1024xf32, #tpu.memory_space<hbm>> -> memref<1x101x32xf32, #tpu.memory_space<hbm>>
      %dma_wait3A_39 = tpu.memref_squeeze %dma_wait3A_38 : memref<1x101x32xf32, #tpu.memory_space<hbm>> -> memref<101x32xf32, #tpu.memory_space<hbm>>
      %dma_wait3A_40 = arith.constant 0 : i32
      %dma_wait3A_41 = tpu.memref_slice %arg2[%dma_wait3A, %dma_wait3A_40, %mul3A_2] : memref<100x101x1024xf32, #tpu.memory_space<hbm>> -> memref<1x101x32xf32, #tpu.memory_space<hbm>>
      %dma_wait3A_42 = tpu.memref_squeeze %dma_wait3A_41 : memref<1x101x32xf32, #tpu.memory_space<hbm>> -> memref<101x32xf32, #tpu.memory_space<hbm>>
      tpu.wait_dma2 semaphore(%arg10 : memref<!tpu.dma_semaphore, #tpu.memory_space<semaphore_mem>>) src(%dma_wait3A_42 : memref<101x32xf32, #tpu.memory_space<hbm>>) dst(%arg5 : memref<101x32xf32, #tpu.memory_space<vmem>>)
      %broadcast_in_dim3A_43 = vector.broadcast %mul3A_36 : i32 to vector<16xi32>
      %get3A = arith.constant 0 : i32
      %get3A_44 = arith.index_cast %get3A : i32 to index
      %get3A_45 = arith.constant 0 : index
      %get3A_46 = tpu.vector_load %arg5[%get3A_44, %get3A_45] {strides = array<i32>} : memref<101x32xf32, #tpu.memory_space<vmem>>, vector<16xf32>,
      %broadcast_in_dim3A_47 = arith.constant 0 : i32
      %broadcast_in_dim3A_48 = vector.broadcast %broadcast_in_dim3A_47 : i32 to vector<16xi32>
      %scan3A_49 = arith.constant 0 : i32
      %scan3A_50 = arith.constant 12 : i32
      %scan3A_51 = arith.addi %scan3A_49, %scan3A_50 : i32
      %scan3A_52 = arith.constant 1 : i32
      %scan3A_53:2 = scf.for %scan3A_371 = %scan3A_49 to %scan3A_51 step %scan3A_52 iter_args(%scan3A_372 = %get3A_46, %scan3A_373 = %broadcast_in_dim3A_48) -> (vector<16xf32>, vector<16xi32>)  : i32 {
        %mul3A_374 = arith.constant 8 : i32
        %mul3A_375 = arith.muli %scan3A_371, %mul3A_374 : i32
        %add3A_376 = arith.constant 1 : i32
        %add3A_377 = arith.addi %add3A_376, %mul3A_375 : i32
        %add3A_378 = arith.constant 0 : i32
        %add3A_379 = arith.addi %add3A_377, %add3A_378 : i32
        %get3A_380 = arith.index_cast %add3A_379 : i32 to index
        %get3A_381 = arith.constant 0 : index
        %get3A_382 = tpu.vector_load %arg5[%get3A_380, %get3A_381] {strides = array<i32>} : memref<101x32xf32, #tpu.memory_space<vmem>>, vector<16xf32>,
        %get3A_383 = arith.index_cast %add3A_379 : i32 to index
        %get3A_384 = arith.constant 0 : index
        %get3A_385 = tpu.vector_load %arg7[%get3A_383, %get3A_384] {strides = array<i32>} : memref<101x32xf32, #tpu.memory_space<vmem>>, vector<16xf32>,
        %add3A_386 = arith.addf %get3A_382, %get3A_385 : vector<16xf32>
        %gt3A_387 = arith.cmpf ogt, %add3A_386, %scan3A_372 : vector<16xf32>
        %select_n3A_388 = arith.select %gt3A_387, %add3A_386, %scan3A_372 : vector<16xi1>, vector<16xf32>
        %broadcast_in_dim3A_389 = vector.broadcast %add3A_379 : i32 to vector<16xi32>
        %select_n3A_390 = arith.select %gt3A_387, %broadcast_in_dim3A_389, %scan3A_373 : vector<16xi1>, vector<16xi32>
        %add3A_391 = arith.constant 1 : i32
        %add3A_392 = arith.addi %add3A_377, %add3A_391 : i32
        %get3A_393 = arith.index_cast %add3A_392 : i32 to index
        %get3A_394 = arith.constant 0 : index
        %get3A_395 = tpu.vector_load %arg5[%get3A_393, %get3A_394] {strides = array<i32>} : memref<101x32xf32, #tpu.memory_space<vmem>>, vector<16xf32>,
        %get3A_396 = arith.index_cast %add3A_392 : i32 to index
        %get3A_397 = arith.constant 0 : index
        %get3A_398 = tpu.vector_load %arg7[%get3A_396, %get3A_397] {strides = array<i32>} : memref<101x32xf32, #tpu.memory_space<vmem>>, vector<16xf32>,
        %add3A_399 = arith.addf %get3A_395, %get3A_398 : vector<16xf32>
        %gt3A_400 = arith.cmpf ogt, %add3A_399, %select_n3A_388 : vector<16xf32>
        %select_n3A_401 = arith.select %gt3A_400, %add3A_399, %select_n3A_388 : vector<16xi1>, vector<16xf32>
        %broadcast_in_dim3A_402 = vector.broadcast %add3A_392 : i32 to vector<16xi32>
        %select_n3A_403 = arith.select %gt3A_400, %broadcast_in_dim3A_402, %select_n3A_390 : vector<16xi1>, vector<16xi32>
        %add3A_404 = arith.constant 2 : i32
        %add3A_405 = arith.addi %add3A_377, %add3A_404 : i32
        %get3A_406 = arith.index_cast %add3A_405 : i32 to index
        %get3A_407 = arith.constant 0 : index
        %get3A_408 = tpu.vector_load %arg5[%get3A_406, %get3A_407] {strides = array<i32>} : memref<101x32xf32, #tpu.memory_space<vmem>>, vector<16xf32>,
        %get3A_409 = arith.index_cast %add3A_405 : i32 to index
        %get3A_410 = arith.constant 0 : index
        %get3A_411 = tpu.vector_load %arg7[%get3A_409, %get3A_410] {strides = array<i32>} : memref<101x32xf32, #tpu.memory_space<vmem>>, vector<16xf32>,
        %add3A_412 = arith.addf %get3A_408, %get3A_411 : vector<16xf32>
        %gt3A_413 = arith.cmpf ogt, %add3A_412, %select_n3A_401 : vector<16xf32>
        %select_n3A_414 = arith.select %gt3A_413, %add3A_412, %select_n3A_401 : vector<16xi1>, vector<16xf32>
        %broadcast_in_dim3A_415 = vector.broadcast %add3A_405 : i32 to vector<16xi32>
        %select_n3A_416 = arith.select %gt3A_413, %broadcast_in_dim3A_415, %select_n3A_403 : vector<16xi1>, vector<16xi32>
        %add3A_417 = arith.constant 3 : i32
        %add3A_418 = arith.addi %add3A_377, %add3A_417 : i32
        %get3A_419 = arith.index_cast %add3A_418 : i32 to index
        %get3A_420 = arith.constant 0 : index
        %get3A_421 = tpu.vector_load %arg5[%get3A_419, %get3A_420] {strides = array<i32>} : memref<101x32xf32, #tpu.memory_space<vmem>>, vector<16xf32>,
        %get3A_422 = arith.index_cast %add3A_418 : i32 to index
        %get3A_423 = arith.constant 0 : index
        %get3A_424 = tpu.vector_load %arg7[%get3A_422, %get3A_423] {strides = array<i32>} : memref<101x32xf32, #tpu.memory_space<vmem>>, vector<16xf32>,
        %add3A_425 = arith.addf %get3A_421, %get3A_424 : vector<16xf32>
        %gt3A_426 = arith.cmpf ogt, %add3A_425, %select_n3A_414 : vector<16xf32>
        %select_n3A_427 = arith.select %gt3A_426, %add3A_425, %select_n3A_414 : vector<16xi1>, vector<16xf32>
        %broadcast_in_dim3A_428 = vector.broadcast %add3A_418 : i32 to vector<16xi32>
        %select_n3A_429 = arith.select %gt3A_426, %broadcast_in_dim3A_428, %select_n3A_416 : vector<16xi1>, vector<16xi32>
        %add3A_430 = arith.constant 4 : i32
        %add3A_431 = arith.addi %add3A_377, %add3A_430 : i32
        %get3A_432 = arith.index_cast %add3A_431 : i32 to index
        %get3A_433 = arith.constant 0 : index
        %get3A_434 = tpu.vector_load %arg5[%get3A_432, %get3A_433] {strides = array<i32>} : memref<101x32xf32, #tpu.memory_space<vmem>>, vector<16xf32>,
        %get3A_435 = arith.index_cast %add3A_431 : i32 to index
        %get3A_436 = arith.constant 0 : index
        %get3A_437 = tpu.vector_load %arg7[%get3A_435, %get3A_436] {strides = array<i32>} : memref<101x32xf32, #tpu.memory_space<vmem>>, vector<16xf32>,
        %add3A_438 = arith.addf %get3A_434, %get3A_437 : vector<16xf32>
        %gt3A_439 = arith.cmpf ogt, %add3A_438, %select_n3A_427 : vector<16xf32>
        %select_n3A_440 = arith.select %gt3A_439, %add3A_438, %select_n3A_427 : vector<16xi1>, vector<16xf32>
        %broadcast_in_dim3A_441 = vector.broadcast %add3A_431 : i32 to vector<16xi32>
        %select_n3A_442 = arith.select %gt3A_439, %broadcast_in_dim3A_441, %select_n3A_429 : vector<16xi1>, vector<16xi32>
        %add3A_443 = arith.constant 5 : i32
        %add3A_444 = arith.addi %add3A_377, %add3A_443 : i32
        %get3A_445 = arith.index_cast %add3A_444 : i32 to index
        %get3A_446 = arith.constant 0 : index
        %get3A_447 = tpu.vector_load %arg5[%get3A_445, %get3A_446] {strides = array<i32>} : memref<101x32xf32, #tpu.memory_space<vmem>>, vector<16xf32>,
        %get3A_448 = arith.index_cast %add3A_444 : i32 to index
        %get3A_449 = arith.constant 0 : index
        %get3A_450 = tpu.vector_load %arg7[%get3A_448, %get3A_449] {strides = array<i32>} : memref<101x32xf32, #tpu.memory_space<vmem>>, vector<16xf32>,
        %add3A_451 = arith.addf %get3A_447, %get3A_450 : vector<16xf32>
        %gt3A_452 = arith.cmpf ogt, %add3A_451, %select_n3A_440 : vector<16xf32>
        %select_n3A_453 = arith.select %gt3A_452, %add3A_451, %select_n3A_440 : vector<16xi1>, vector<16xf32>
        %broadcast_in_dim3A_454 = vector.broadcast %add3A_444 : i32 to vector<16xi32>
        %select_n3A_455 = arith.select %gt3A_452, %broadcast_in_dim3A_454, %select_n3A_442 : vector<16xi1>, vector<16xi32>
        %add3A_456 = arith.constant 6 : i32
        %add3A_457 = arith.addi %add3A_377, %add3A_456 : i32
        %get3A_458 = arith.index_cast %add3A_457 : i32 to index
        %get3A_459 = arith.constant 0 : index
        %get3A_460 = tpu.vector_load %arg5[%get3A_458, %get3A_459] {strides = array<i32>} : memref<101x32xf32, #tpu.memory_space<vmem>>, vector<16xf32>,
        %get3A_461 = arith.index_cast %add3A_457 : i32 to index
        %get3A_462 = arith.constant 0 : index
        %get3A_463 = tpu.vector_load %arg7[%get3A_461, %get3A_462] {strides = array<i32>} : memref<101x32xf32, #tpu.memory_space<vmem>>, vector<16xf32>,
        %add3A_464 = arith.addf %get3A_460, %get3A_463 : vector<16xf32>
        %gt3A_465 = arith.cmpf ogt, %add3A_464, %select_n3A_453 : vector<16xf32>
        %select_n3A_466 = arith.select %gt3A_465, %add3A_464, %select_n3A_453 : vector<16xi1>, vector<16xf32>
        %broadcast_in_dim3A_467 = vector.broadcast %add3A_457 : i32 to vector<16xi32>
        %select_n3A_468 = arith.select %gt3A_465, %broadcast_in_dim3A_467, %select_n3A_455 : vector<16xi1>, vector<16xi32>
        %add3A_469 = arith.constant 7 : i32
        %add3A_470 = arith.addi %add3A_377, %add3A_469 : i32
        %get3A_471 = arith.index_cast %add3A_470 : i32 to index
        %get3A_472 = arith.constant 0 : index
        %get3A_473 = tpu.vector_load %arg5[%get3A_471, %get3A_472] {strides = array<i32>} : memref<101x32xf32, #tpu.memory_space<vmem>>, vector<16xf32>,
        %get3A_474 = arith.index_cast %add3A_470 : i32 to index
        %get3A_475 = arith.constant 0 : index
        %get3A_476 = tpu.vector_load %arg7[%get3A_474, %get3A_475] {strides = array<i32>} : memref<101x32xf32, #tpu.memory_space<vmem>>, vector<16xf32>,
        %add3A_477 = arith.addf %get3A_473, %get3A_476 : vector<16xf32>
        %gt3A_478 = arith.cmpf ogt, %add3A_477, %select_n3A_466 : vector<16xf32>
        %select_n3A_479 = arith.select %gt3A_478, %add3A_477, %select_n3A_466 : vector<16xi1>, vector<16xf32>
        %broadcast_in_dim3A_480 = vector.broadcast %add3A_470 : i32 to vector<16xi32>
        %select_n3A_481 = arith.select %gt3A_478, %broadcast_in_dim3A_480, %select_n3A_468 : vector<16xi1>, vector<16xi32>
        scf.yield %select_n3A_479, %select_n3A_481 : vector<16xf32>, vector<16xi32>
      }
      %scan3A_54 = arith.constant 12 : i32
      %get3A_55 = arith.constant 97 : i32
      %get3A_56 = arith.index_cast %get3A_55 : i32 to index
      %get3A_57 = arith.constant 0 : index
      %get3A_58 = tpu.vector_load %arg5[%get3A_56, %get3A_57] {strides = array<i32>} : memref<101x32xf32, #tpu.memory_space<vmem>>, vector<16xf32>,
      %get3A_59 = arith.constant 97 : i32
      %get3A_60 = arith.index_cast %get3A_59 : i32 to index
      %get3A_61 = arith.constant 0 : index
      %get3A_62 = tpu.vector_load %arg7[%get3A_60, %get3A_61] {strides = array<i32>} : memref<101x32xf32, #tpu.memory_space<vmem>>, vector<16xf32>,
      %add3A_63 = arith.addf %get3A_58, %get3A_62 : vector<16xf32>
      %gt3A = arith.cmpf ogt, %add3A_63, %scan3A_53#0 : vector<16xf32>
      %select_n3A = arith.select %gt3A, %add3A_63, %scan3A_53#0 : vector<16xi1>, vector<16xf32>
      %jit3A = arith.constant 97 : i32
      %broadcast_in_dim3A_64 = vector.broadcast %jit3A : i32 to vector<16xi32>
      %select_n3A_65 = arith.select %gt3A, %broadcast_in_dim3A_64, %scan3A_53#1 : vector<16xi1>, vector<16xi32>
      %get3A_66 = arith.constant 98 : i32
      %get3A_67 = arith.index_cast %get3A_66 : i32 to index
      %get3A_68 = arith.constant 0 : index
      %get3A_69 = tpu.vector_load %arg5[%get3A_67, %get3A_68] {strides = array<i32>} : memref<101x32xf32, #tpu.memory_space<vmem>>, vector<16xf32>,
      %get3A_70 = arith.constant 98 : i32
      %get3A_71 = arith.index_cast %get3A_70 : i32 to index
      %get3A_72 = arith.constant 0 : index
      %get3A_73 = tpu.vector_load %arg7[%get3A_71, %get3A_72] {strides = array<i32>} : memref<101x32xf32, #tpu.memory_space<vmem>>, vector<16xf32>,
      %add3A_74 = arith.addf %get3A_69, %get3A_73 : vector<16xf32>
      %gt3A_75 = arith.cmpf ogt, %add3A_74, %select_n3A : vector<16xf32>
      %select_n3A_76 = arith.select %gt3A_75, %add3A_74, %select_n3A : vector<16xi1>, vector<16xf32>
      %jit3A_77 = arith.constant 98 : i32
      %broadcast_in_dim3A_78 = vector.broadcast %jit3A_77 : i32 to vector<16xi32>
      %select_n3A_79 = arith.select %gt3A_75, %broadcast_in_dim3A_78, %select_n3A_65 : vector<16xi1>, vector<16xi32>
      %get3A_80 = arith.constant 99 : i32
      %get3A_81 = arith.index_cast %get3A_80 : i32 to index
      %get3A_82 = arith.constant 0 : index
      %get3A_83 = tpu.vector_load %arg5[%get3A_81, %get3A_82] {strides = array<i32>} : memref<101x32xf32, #tpu.memory_space<vmem>>, vector<16xf32>,
      %get3A_84 = arith.constant 99 : i32
      %get3A_85 = arith.index_cast %get3A_84 : i32 to index
      %get3A_86 = arith.constant 0 : index
      %get3A_87 = tpu.vector_load %arg7[%get3A_85, %get3A_86] {strides = array<i32>} : memref<101x32xf32, #tpu.memory_space<vmem>>, vector<16xf32>,
      %add3A_88 = arith.addf %get3A_83, %get3A_87 : vector<16xf32>
      %gt3A_89 = arith.cmpf ogt, %add3A_88, %select_n3A_76 : vector<16xf32>
      %select_n3A_90 = arith.select %gt3A_89, %add3A_88, %select_n3A_76 : vector<16xi1>, vector<16xf32>
      %jit3A_91 = arith.constant 99 : i32
      %broadcast_in_dim3A_92 = vector.broadcast %jit3A_91 : i32 to vector<16xi32>
      %select_n3A_93 = arith.select %gt3A_89, %broadcast_in_dim3A_92, %select_n3A_79 : vector<16xi1>, vector<16xi32>
      %get3A_94 = arith.constant 100 : i32
      %get3A_95 = arith.index_cast %get3A_94 : i32 to index
      %get3A_96 = arith.constant 0 : index
      %get3A_97 = tpu.vector_load %arg5[%get3A_95, %get3A_96] {strides = array<i32>} : memref<101x32xf32, #tpu.memory_space<vmem>>, vector<16xf32>,
      %get3A_98 = arith.constant 100 : i32
      %get3A_99 = arith.index_cast %get3A_98 : i32 to index
      %get3A_100 = arith.constant 0 : index
      %get3A_101 = tpu.vector_load %arg7[%get3A_99, %get3A_100] {strides = array<i32>} : memref<101x32xf32, #tpu.memory_space<vmem>>, vector<16xf32>,
      %add3A_102 = arith.addf %get3A_97, %get3A_101 : vector<16xf32>
      %gt3A_103 = arith.cmpf ogt, %add3A_102, %select_n3A_90 : vector<16xf32>
      %select_n3A_104 = arith.select %gt3A_103, %add3A_102, %select_n3A_90 : vector<16xi1>, vector<16xf32>
      %jit3A_105 = arith.constant 100 : i32
      %broadcast_in_dim3A_106 = vector.broadcast %jit3A_105 : i32 to vector<16xi32>
      %select_n3A_107 = arith.select %gt3A_103, %broadcast_in_dim3A_106, %select_n3A_93 : vector<16xi1>, vector<16xi32>
      %sub3A = arith.subf %scan3A_33, %select_n3A_104 : vector<16xf32>
      %add3A_108 = arith.constant 0 : i32
      %add3A_109 = vector.broadcast %add3A_108 : i32 to vector<16xi32>
      %add3A_110 = arith.addi %iota3A, %add3A_109 : vector<16xi32>
      %ne3A = arith.constant 0 : i32
      %ne3A_111 = vector.broadcast %ne3A : i32 to vector<16xi32>
      %ne3A_112 = arith.cmpi ne, %select_n3A_107, %ne3A_111 : vector<16xi32>
      tpu.vector_store_idx %arg7[%select_n3A_107, %add3A_110], %broadcast_in_dim3A_5 masked %ne3A_112 : memref<101x32xf32, #tpu.memory_space<vmem>>[vector<16xi32>, vector<16xi32>], vector<16xf32>, vector<16xi1>
      %add3A_113 = arith.constant 0 : i32
      %add3A_114 = vector.broadcast %add3A_113 : i32 to vector<16xi32>
      %add3A_115 = arith.addi %iota3A, %add3A_114 : vector<16xi32>
      tpu.vector_store_idx %arg8[%broadcast_in_dim3A_43, %add3A_115], %select_n3A_107 : memref<100x32xi32, #tpu.memory_space<vmem>>[vector<16xi32>, vector<16xi32>], vector<16xi32>,
      %get3A_116 = arith.constant 0 : i32
      %get3A_117 = arith.index_cast %get3A_116 : i32 to index
      %get3A_118 = arith.constant 16 : index
      %get3A_119 = tpu.vector_load %arg5[%get3A_117, %get3A_118] {strides = array<i32>} : memref<101x32xf32, #tpu.memory_space<vmem>>, vector<16xf32>,
      %broadcast_in_dim3A_120 = arith.constant 0 : i32
      %broadcast_in_dim3A_121 = vector.broadcast %broadcast_in_dim3A_120 : i32 to vector<16xi32>
      %scan3A_122 = arith.constant 0 : i32
      %scan3A_123 = arith.constant 12 : i32
      %scan3A_124 = arith.addi %scan3A_122, %scan3A_123 : i32
      %scan3A_125 = arith.constant 1 : i32
      %scan3A_126:2 = scf.for %scan3A_371 = %scan3A_122 to %scan3A_124 step %scan3A_125 iter_args(%scan3A_372 = %get3A_119, %scan3A_373 = %broadcast_in_dim3A_121) -> (vector<16xf32>, vector<16xi32>)  : i32 {
        %mul3A_374 = arith.constant 8 : i32
        %mul3A_375 = arith.muli %scan3A_371, %mul3A_374 : i32
        %add3A_376 = arith.constant 1 : i32
        %add3A_377 = arith.addi %add3A_376, %mul3A_375 : i32
        %add3A_378 = arith.constant 0 : i32
        %add3A_379 = arith.addi %add3A_377, %add3A_378 : i32
        %get3A_380 = arith.index_cast %add3A_379 : i32 to index
        %get3A_381 = arith.constant 16 : index
        %get3A_382 = tpu.vector_load %arg5[%get3A_380, %get3A_381] {strides = array<i32>} : memref<101x32xf32, #tpu.memory_space<vmem>>, vector<16xf32>,
        %get3A_383 = arith.index_cast %add3A_379 : i32 to index
        %get3A_384 = arith.constant 16 : index
        %get3A_385 = tpu.vector_load %arg7[%get3A_383, %get3A_384] {strides = array<i32>} : memref<101x32xf32, #tpu.memory_space<vmem>>, vector<16xf32>,
        %add3A_386 = arith.addf %get3A_382, %get3A_385 : vector<16xf32>
        %gt3A_387 = arith.cmpf ogt, %add3A_386, %scan3A_372 : vector<16xf32>
        %select_n3A_388 = arith.select %gt3A_387, %add3A_386, %scan3A_372 : vector<16xi1>, vector<16xf32>
        %broadcast_in_dim3A_389 = vector.broadcast %add3A_379 : i32 to vector<16xi32>
        %select_n3A_390 = arith.select %gt3A_387, %broadcast_in_dim3A_389, %scan3A_373 : vector<16xi1>, vector<16xi32>
        %add3A_391 = arith.constant 1 : i32
        %add3A_392 = arith.addi %add3A_377, %add3A_391 : i32
        %get3A_393 = arith.index_cast %add3A_392 : i32 to index
        %get3A_394 = arith.constant 16 : index
        %get3A_395 = tpu.vector_load %arg5[%get3A_393, %get3A_394] {strides = array<i32>} : memref<101x32xf32, #tpu.memory_space<vmem>>, vector<16xf32>,
        %get3A_396 = arith.index_cast %add3A_392 : i32 to index
        %get3A_397 = arith.constant 16 : index
        %get3A_398 = tpu.vector_load %arg7[%get3A_396, %get3A_397] {strides = array<i32>} : memref<101x32xf32, #tpu.memory_space<vmem>>, vector<16xf32>,
        %add3A_399 = arith.addf %get3A_395, %get3A_398 : vector<16xf32>
        %gt3A_400 = arith.cmpf ogt, %add3A_399, %select_n3A_388 : vector<16xf32>
        %select_n3A_401 = arith.select %gt3A_400, %add3A_399, %select_n3A_388 : vector<16xi1>, vector<16xf32>
        %broadcast_in_dim3A_402 = vector.broadcast %add3A_392 : i32 to vector<16xi32>
        %select_n3A_403 = arith.select %gt3A_400, %broadcast_in_dim3A_402, %select_n3A_390 : vector<16xi1>, vector<16xi32>
        %add3A_404 = arith.constant 2 : i32
        %add3A_405 = arith.addi %add3A_377, %add3A_404 : i32
        %get3A_406 = arith.index_cast %add3A_405 : i32 to index
        %get3A_407 = arith.constant 16 : index
        %get3A_408 = tpu.vector_load %arg5[%get3A_406, %get3A_407] {strides = array<i32>} : memref<101x32xf32, #tpu.memory_space<vmem>>, vector<16xf32>,
        %get3A_409 = arith.index_cast %add3A_405 : i32 to index
        %get3A_410 = arith.constant 16 : index
        %get3A_411 = tpu.vector_load %arg7[%get3A_409, %get3A_410] {strides = array<i32>} : memref<101x32xf32, #tpu.memory_space<vmem>>, vector<16xf32>,
        %add3A_412 = arith.addf %get3A_408, %get3A_411 : vector<16xf32>
        %gt3A_413 = arith.cmpf ogt, %add3A_412, %select_n3A_401 : vector<16xf32>
        %select_n3A_414 = arith.select %gt3A_413, %add3A_412, %select_n3A_401 : vector<16xi1>, vector<16xf32>
        %broadcast_in_dim3A_415 = vector.broadcast %add3A_405 : i32 to vector<16xi32>
        %select_n3A_416 = arith.select %gt3A_413, %broadcast_in_dim3A_415, %select_n3A_403 : vector<16xi1>, vector<16xi32>
        %add3A_417 = arith.constant 3 : i32
        %add3A_418 = arith.addi %add3A_377, %add3A_417 : i32
        %get3A_419 = arith.index_cast %add3A_418 : i32 to index
        %get3A_420 = arith.constant 16 : index
        %get3A_421 = tpu.vector_load %arg5[%get3A_419, %get3A_420] {strides = array<i32>} : memref<101x32xf32, #tpu.memory_space<vmem>>, vector<16xf32>,
        %get3A_422 = arith.index_cast %add3A_418 : i32 to index
        %get3A_423 = arith.constant 16 : index
        %get3A_424 = tpu.vector_load %arg7[%get3A_422, %get3A_423] {strides = array<i32>} : memref<101x32xf32, #tpu.memory_space<vmem>>, vector<16xf32>,
        %add3A_425 = arith.addf %get3A_421, %get3A_424 : vector<16xf32>
        %gt3A_426 = arith.cmpf ogt, %add3A_425, %select_n3A_414 : vector<16xf32>
        %select_n3A_427 = arith.select %gt3A_426, %add3A_425, %select_n3A_414 : vector<16xi1>, vector<16xf32>
        %broadcast_in_dim3A_428 = vector.broadcast %add3A_418 : i32 to vector<16xi32>
        %select_n3A_429 = arith.select %gt3A_426, %broadcast_in_dim3A_428, %select_n3A_416 : vector<16xi1>, vector<16xi32>
        %add3A_430 = arith.constant 4 : i32
        %add3A_431 = arith.addi %add3A_377, %add3A_430 : i32
        %get3A_432 = arith.index_cast %add3A_431 : i32 to index
        %get3A_433 = arith.constant 16 : index
        %get3A_434 = tpu.vector_load %arg5[%get3A_432, %get3A_433] {strides = array<i32>} : memref<101x32xf32, #tpu.memory_space<vmem>>, vector<16xf32>,
        %get3A_435 = arith.index_cast %add3A_431 : i32 to index
        %get3A_436 = arith.constant 16 : index
        %get3A_437 = tpu.vector_load %arg7[%get3A_435, %get3A_436] {strides = array<i32>} : memref<101x32xf32, #tpu.memory_space<vmem>>, vector<16xf32>,
        %add3A_438 = arith.addf %get3A_434, %get3A_437 : vector<16xf32>
        %gt3A_439 = arith.cmpf ogt, %add3A_438, %select_n3A_427 : vector<16xf32>
        %select_n3A_440 = arith.select %gt3A_439, %add3A_438, %select_n3A_427 : vector<16xi1>, vector<16xf32>
        %broadcast_in_dim3A_441 = vector.broadcast %add3A_431 : i32 to vector<16xi32>
        %select_n3A_442 = arith.select %gt3A_439, %broadcast_in_dim3A_441, %select_n3A_429 : vector<16xi1>, vector<16xi32>
        %add3A_443 = arith.constant 5 : i32
        %add3A_444 = arith.addi %add3A_377, %add3A_443 : i32
        %get3A_445 = arith.index_cast %add3A_444 : i32 to index
        %get3A_446 = arith.constant 16 : index
        %get3A_447 = tpu.vector_load %arg5[%get3A_445, %get3A_446] {strides = array<i32>} : memref<101x32xf32, #tpu.memory_space<vmem>>, vector<16xf32>,
        %get3A_448 = arith.index_cast %add3A_444 : i32 to index
        %get3A_449 = arith.constant 16 : index
        %get3A_450 = tpu.vector_load %arg7[%get3A_448, %get3A_449] {strides = array<i32>} : memref<101x32xf32, #tpu.memory_space<vmem>>, vector<16xf32>,
        %add3A_451 = arith.addf %get3A_447, %get3A_450 : vector<16xf32>
        %gt3A_452 = arith.cmpf ogt, %add3A_451, %select_n3A_440 : vector<16xf32>
        %select_n3A_453 = arith.select %gt3A_452, %add3A_451, %select_n3A_440 : vector<16xi1>, vector<16xf32>
        %broadcast_in_dim3A_454 = vector.broadcast %add3A_444 : i32 to vector<16xi32>
        %select_n3A_455 = arith.select %gt3A_452, %broadcast_in_dim3A_454, %select_n3A_442 : vector<16xi1>, vector<16xi32>
        %add3A_456 = arith.constant 6 : i32
        %add3A_457 = arith.addi %add3A_377, %add3A_456 : i32
        %get3A_458 = arith.index_cast %add3A_457 : i32 to index
        %get3A_459 = arith.constant 16 : index
        %get3A_460 = tpu.vector_load %arg5[%get3A_458, %get3A_459] {strides = array<i32>} : memref<101x32xf32, #tpu.memory_space<vmem>>, vector<16xf32>,
        %get3A_461 = arith.index_cast %add3A_457 : i32 to index
        %get3A_462 = arith.constant 16 : index
        %get3A_463 = tpu.vector_load %arg7[%get3A_461, %get3A_462] {strides = array<i32>} : memref<101x32xf32, #tpu.memory_space<vmem>>, vector<16xf32>,
        %add3A_464 = arith.addf %get3A_460, %get3A_463 : vector<16xf32>
        %gt3A_465 = arith.cmpf ogt, %add3A_464, %select_n3A_453 : vector<16xf32>
        %select_n3A_466 = arith.select %gt3A_465, %add3A_464, %select_n3A_453 : vector<16xi1>, vector<16xf32>
        %broadcast_in_dim3A_467 = vector.broadcast %add3A_457 : i32 to vector<16xi32>
        %select_n3A_468 = arith.select %gt3A_465, %broadcast_in_dim3A_467, %select_n3A_455 : vector<16xi1>, vector<16xi32>
        %add3A_469 = arith.constant 7 : i32
        %add3A_470 = arith.addi %add3A_377, %add3A_469 : i32
        %get3A_471 = arith.index_cast %add3A_470 : i32 to index
        %get3A_472 = arith.constant 16 : index
        %get3A_473 = tpu.vector_load %arg5[%get3A_471, %get3A_472] {strides = array<i32>} : memref<101x32xf32, #tpu.memory_space<vmem>>, vector<16xf32>,
        %get3A_474 = arith.index_cast %add3A_470 : i32 to index
        %get3A_475 = arith.constant 16 : index
        %get3A_476 = tpu.vector_load %arg7[%get3A_474, %get3A_475] {strides = array<i32>} : memref<101x32xf32, #tpu.memory_space<vmem>>, vector<16xf32>,
        %add3A_477 = arith.addf %get3A_473, %get3A_476 : vector<16xf32>
        %gt3A_478 = arith.cmpf ogt, %add3A_477, %select_n3A_466 : vector<16xf32>
        %select_n3A_479 = arith.select %gt3A_478, %add3A_477, %select_n3A_466 : vector<16xi1>, vector<16xf32>
        %broadcast_in_dim3A_480 = vector.broadcast %add3A_470 : i32 to vector<16xi32>
        %select_n3A_481 = arith.select %gt3A_478, %broadcast_in_dim3A_480, %select_n3A_468 : vector<16xi1>, vector<16xi32>
        scf.yield %select_n3A_479, %select_n3A_481 : vector<16xf32>, vector<16xi32>
      }
      %scan3A_127 = arith.constant 12 : i32
      %get3A_128 = arith.constant 97 : i32
      %get3A_129 = arith.index_cast %get3A_128 : i32 to index
      %get3A_130 = arith.constant 16 : index
      %get3A_131 = tpu.vector_load %arg5[%get3A_129, %get3A_130] {strides = array<i32>} : memref<101x32xf32, #tpu.memory_space<vmem>>, vector<16xf32>,
      %get3A_132 = arith.constant 97 : i32
      %get3A_133 = arith.index_cast %get3A_132 : i32 to index
      %get3A_134 = arith.constant 16 : index
      %get3A_135 = tpu.vector_load %arg7[%get3A_133, %get3A_134] {strides = array<i32>} : memref<101x32xf32, #tpu.memory_space<vmem>>, vector<16xf32>,
      %add3A_136 = arith.addf %get3A_131, %get3A_135 : vector<16xf32>
      %gt3A_137 = arith.cmpf ogt, %add3A_136, %scan3A_126#0 : vector<16xf32>
      %select_n3A_138 = arith.select %gt3A_137, %add3A_136, %scan3A_126#0 : vector<16xi1>, vector<16xf32>
      %jit3A_139 = arith.constant 97 : i32
      %broadcast_in_dim3A_140 = vector.broadcast %jit3A_139 : i32 to vector<16xi32>
      %select_n3A_141 = arith.select %gt3A_137, %broadcast_in_dim3A_140, %scan3A_126#1 : vector<16xi1>, vector<16xi32>
      %get3A_142 = arith.constant 98 : i32
      %get3A_143 = arith.index_cast %get3A_142 : i32 to index
      %get3A_144 = arith.constant 16 : index
      %get3A_145 = tpu.vector_load %arg5[%get3A_143, %get3A_144] {strides = array<i32>} : memref<101x32xf32, #tpu.memory_space<vmem>>, vector<16xf32>,
      %get3A_146 = arith.constant 98 : i32
      %get3A_147 = arith.index_cast %get3A_146 : i32 to index
      %get3A_148 = arith.constant 16 : index
      %get3A_149 = tpu.vector_load %arg7[%get3A_147, %get3A_148] {strides = array<i32>} : memref<101x32xf32, #tpu.memory_space<vmem>>, vector<16xf32>,
      %add3A_150 = arith.addf %get3A_145, %get3A_149 : vector<16xf32>
      %gt3A_151 = arith.cmpf ogt, %add3A_150, %select_n3A_138 : vector<16xf32>
      %select_n3A_152 = arith.select %gt3A_151, %add3A_150, %select_n3A_138 : vector<16xi1>, vector<16xf32>
      %jit3A_153 = arith.constant 98 : i32
      %broadcast_in_dim3A_154 = vector.broadcast %jit3A_153 : i32 to vector<16xi32>
      %select_n3A_155 = arith.select %gt3A_151, %broadcast_in_dim3A_154, %select_n3A_141 : vector<16xi1>, vector<16xi32>
      %get3A_156 = arith.constant 99 : i32
      %get3A_157 = arith.index_cast %get3A_156 : i32 to index
      %get3A_158 = arith.constant 16 : index
      %get3A_159 = tpu.vector_load %arg5[%get3A_157, %get3A_158] {strides = array<i32>} : memref<101x32xf32, #tpu.memory_space<vmem>>, vector<16xf32>,
      %get3A_160 = arith.constant 99 : i32
      %get3A_161 = arith.index_cast %get3A_160 : i32 to index
      %get3A_162 = arith.constant 16 : index
      %get3A_163 = tpu.vector_load %arg7[%get3A_161, %get3A_162] {strides = array<i32>} : memref<101x32xf32, #tpu.memory_space<vmem>>, vector<16xf32>,
      %add3A_164 = arith.addf %get3A_159, %get3A_163 : vector<16xf32>
      %gt3A_165 = arith.cmpf ogt, %add3A_164, %select_n3A_152 : vector<16xf32>
      %select_n3A_166 = arith.select %gt3A_165, %add3A_164, %select_n3A_152 : vector<16xi1>, vector<16xf32>
      %jit3A_167 = arith.constant 99 : i32
      %broadcast_in_dim3A_168 = vector.broadcast %jit3A_167 : i32 to vector<16xi32>
      %select_n3A_169 = arith.select %gt3A_165, %broadcast_in_dim3A_168, %select_n3A_155 : vector<16xi1>, vector<16xi32>
      %get3A_170 = arith.constant 100 : i32
      %get3A_171 = arith.index_cast %get3A_170 : i32 to index
      %get3A_172 = arith.constant 16 : index
      %get3A_173 = tpu.vector_load %arg5[%get3A_171, %get3A_172] {strides = array<i32>} : memref<101x32xf32, #tpu.memory_space<vmem>>, vector<16xf32>,
      %get3A_174 = arith.constant 100 : i32
      %get3A_175 = arith.index_cast %get3A_174 : i32 to index
      %get3A_176 = arith.constant 16 : index
      %get3A_177 = tpu.vector_load %arg7[%get3A_175, %get3A_176] {strides = array<i32>} : memref<101x32xf32, #tpu.memory_space<vmem>>, vector<16xf32>,
      %add3A_178 = arith.addf %get3A_173, %get3A_177 : vector<16xf32>
      %gt3A_179 = arith.cmpf ogt, %add3A_178, %select_n3A_166 : vector<16xf32>
      %select_n3A_180 = arith.select %gt3A_179, %add3A_178, %select_n3A_166 : vector<16xi1>, vector<16xf32>
      %jit3A_181 = arith.constant 100 : i32
      %broadcast_in_dim3A_182 = vector.broadcast %jit3A_181 : i32 to vector<16xi32>
      %select_n3A_183 = arith.select %gt3A_179, %broadcast_in_dim3A_182, %select_n3A_169 : vector<16xi1>, vector<16xi32>
      %sub3A_184 = arith.subf %scan3A_34, %select_n3A_180 : vector<16xf32>
      %add3A_185 = arith.constant 16 : i32
      %add3A_186 = vector.broadcast %add3A_185 : i32 to vector<16xi32>
      %add3A_187 = arith.addi %iota3A, %add3A_186 : vector<16xi32>
      %ne3A_188 = arith.constant 0 : i32
      %ne3A_189 = vector.broadcast %ne3A_188 : i32 to vector<16xi32>
      %ne3A_190 = arith.cmpi ne, %select_n3A_183, %ne3A_189 : vector<16xi32>
      tpu.vector_store_idx %arg7[%select_n3A_183, %add3A_187], %broadcast_in_dim3A_5 masked %ne3A_190 : memref<101x32xf32, #tpu.memory_space<vmem>>[vector<16xi32>, vector<16xi32>], vector<16xf32>, vector<16xi1>
      %add3A_191 = arith.constant 16 : i32
      %add3A_192 = vector.broadcast %add3A_191 : i32 to vector<16xi32>
      %add3A_193 = arith.addi %iota3A, %add3A_192 : vector<16xi32>
      tpu.vector_store_idx %arg8[%broadcast_in_dim3A_43, %add3A_193], %select_n3A_183 : memref<100x32xi32, #tpu.memory_space<vmem>>[vector<16xi32>, vector<16xi32>], vector<16xi32>,
      %add3A_194 = arith.constant 2 : i32
      %add3A_195 = arith.addi %mul3A_36, %add3A_194 : i32
      %lt3A = arith.constant 100 : i32
      %lt3A_196 = arith.cmpi slt, %add3A_195, %lt3A : i32
      %convert_element_type3A = arith.extui %lt3A_196 : i1 to i32
      %cond3A = arith.constant 0 : i32
      %cond3A_197 = arith.cmpi ne, %convert_element_type3A, %cond3A : i32
      scf.if %cond3A_197 {
        %add3A_371 = arith.constant 2 : i32
        %add3A_372 = arith.addi %mul3A_36, %add3A_371 : i32
        %dma_start3A_373 = arith.constant 0 : i32
        %dma_start3A_374 = tpu.memref_slice %arg2[%add3A_372, %dma_start3A_373, %mul3A_2] : memref<100x101x1024xf32, #tpu.memory_space<hbm>> -> memref<1x101x32xf32, #tpu.memory_space<hbm>>
        %dma_start3A_375 = tpu.memref_squeeze %dma_start3A_374 : memref<1x101x32xf32, #tpu.memory_space<hbm>> -> memref<101x32xf32, #tpu.memory_space<hbm>>
        %dma_start3A_376 = arith.constant 0 : i32
        %dma_start3A_377 = tpu.memref_slice %arg2[%add3A_372, %dma_start3A_376, %mul3A_2] : memref<100x101x1024xf32, #tpu.memory_space<hbm>> -> memref<1x101x32xf32, #tpu.memory_space<hbm>>
        %dma_start3A_378 = tpu.memref_squeeze %dma_start3A_377 : memref<1x101x32xf32, #tpu.memory_space<hbm>> -> memref<101x32xf32, #tpu.memory_space<hbm>>
        tpu.enqueue_dma source(%dma_start3A_378 : memref<101x32xf32, #tpu.memory_space<hbm>>) target(%arg5 : memref<101x32xf32, #tpu.memory_space<vmem>>) target_semaphore(%arg10 : memref<!tpu.dma_semaphore, #tpu.memory_space<semaphore_mem>>)
      } else {
      }
      %dma_wait3A_198 = arith.constant 0 : i32
      %dma_wait3A_199 = arith.constant 0 : i32
      %dma_wait3A_200 = tpu.memref_slice %arg2[%dma_wait3A_198, %dma_wait3A_199, %mul3A_2] : memref<100x101x1024xf32, #tpu.memory_space<hbm>> -> memref<1x101x32xf32, #tpu.memory_space<hbm>>
      %dma_wait3A_201 = tpu.memref_squeeze %dma_wait3A_200 : memref<1x101x32xf32, #tpu.memory_space<hbm>> -> memref<101x32xf32, #tpu.memory_space<hbm>>
      %dma_wait3A_202 = arith.constant 0 : i32
      %dma_wait3A_203 = tpu.memref_slice %arg2[%dma_wait3A_198, %dma_wait3A_202, %mul3A_2] : memref<100x101x1024xf32, #tpu.memory_space<hbm>> -> memref<1x101x32xf32, #tpu.memory_space<hbm>>
      %dma_wait3A_204 = tpu.memref_squeeze %dma_wait3A_203 : memref<1x101x32xf32, #tpu.memory_space<hbm>> -> memref<101x32xf32, #tpu.memory_space<hbm>>
      tpu.wait_dma2 semaphore(%arg11 : memref<!tpu.dma_semaphore, #tpu.memory_space<semaphore_mem>>) src(%dma_wait3A_204 : memref<101x32xf32, #tpu.memory_space<hbm>>) dst(%arg6 : memref<101x32xf32, #tpu.memory_space<vmem>>)
      %add3A_205 = arith.constant 1 : i32
      %add3A_206 = arith.addi %mul3A_36, %add3A_205 : i32
      %broadcast_in_dim3A_207 = vector.broadcast %add3A_206 : i32 to vector<16xi32>
      %get3A_208 = arith.constant 0 : i32
      %get3A_209 = arith.index_cast %get3A_208 : i32 to index
      %get3A_210 = arith.constant 0 : index
      %get3A_211 = tpu.vector_load %arg6[%get3A_209, %get3A_210] {strides = array<i32>} : memref<101x32xf32, #tpu.memory_space<vmem>>, vector<16xf32>,
      %broadcast_in_dim3A_212 = arith.constant 0 : i32
      %broadcast_in_dim3A_213 = vector.broadcast %broadcast_in_dim3A_212 : i32 to vector<16xi32>
      %scan3A_214 = arith.constant 0 : i32
      %scan3A_215 = arith.constant 12 : i32
      %scan3A_216 = arith.addi %scan3A_214, %scan3A_215 : i32
      %scan3A_217 = arith.constant 1 : i32
      %scan3A_218:2 = scf.for %scan3A_371 = %scan3A_214 to %scan3A_216 step %scan3A_217 iter_args(%scan3A_372 = %get3A_211, %scan3A_373 = %broadcast_in_dim3A_213) -> (vector<16xf32>, vector<16xi32>)  : i32 {
        %mul3A_374 = arith.constant 8 : i32
        %mul3A_375 = arith.muli %scan3A_371, %mul3A_374 : i32
        %add3A_376 = arith.constant 1 : i32
        %add3A_377 = arith.addi %add3A_376, %mul3A_375 : i32
        %add3A_378 = arith.constant 0 : i32
        %add3A_379 = arith.addi %add3A_377, %add3A_378 : i32
        %get3A_380 = arith.index_cast %add3A_379 : i32 to index
        %get3A_381 = arith.constant 0 : index
        %get3A_382 = tpu.vector_load %arg6[%get3A_380, %get3A_381] {strides = array<i32>} : memref<101x32xf32, #tpu.memory_space<vmem>>, vector<16xf32>,
        %get3A_383 = arith.index_cast %add3A_379 : i32 to index
        %get3A_384 = arith.constant 0 : index
        %get3A_385 = tpu.vector_load %arg7[%get3A_383, %get3A_384] {strides = array<i32>} : memref<101x32xf32, #tpu.memory_space<vmem>>, vector<16xf32>,
        %add3A_386 = arith.addf %get3A_382, %get3A_385 : vector<16xf32>
        %gt3A_387 = arith.cmpf ogt, %add3A_386, %scan3A_372 : vector<16xf32>
        %select_n3A_388 = arith.select %gt3A_387, %add3A_386, %scan3A_372 : vector<16xi1>, vector<16xf32>
        %broadcast_in_dim3A_389 = vector.broadcast %add3A_379 : i32 to vector<16xi32>
        %select_n3A_390 = arith.select %gt3A_387, %broadcast_in_dim3A_389, %scan3A_373 : vector<16xi1>, vector<16xi32>
        %add3A_391 = arith.constant 1 : i32
        %add3A_392 = arith.addi %add3A_377, %add3A_391 : i32
        %get3A_393 = arith.index_cast %add3A_392 : i32 to index
        %get3A_394 = arith.constant 0 : index
        %get3A_395 = tpu.vector_load %arg6[%get3A_393, %get3A_394] {strides = array<i32>} : memref<101x32xf32, #tpu.memory_space<vmem>>, vector<16xf32>,
        %get3A_396 = arith.index_cast %add3A_392 : i32 to index
        %get3A_397 = arith.constant 0 : index
        %get3A_398 = tpu.vector_load %arg7[%get3A_396, %get3A_397] {strides = array<i32>} : memref<101x32xf32, #tpu.memory_space<vmem>>, vector<16xf32>,
        %add3A_399 = arith.addf %get3A_395, %get3A_398 : vector<16xf32>
        %gt3A_400 = arith.cmpf ogt, %add3A_399, %select_n3A_388 : vector<16xf32>
        %select_n3A_401 = arith.select %gt3A_400, %add3A_399, %select_n3A_388 : vector<16xi1>, vector<16xf32>
        %broadcast_in_dim3A_402 = vector.broadcast %add3A_392 : i32 to vector<16xi32>
        %select_n3A_403 = arith.select %gt3A_400, %broadcast_in_dim3A_402, %select_n3A_390 : vector<16xi1>, vector<16xi32>
        %add3A_404 = arith.constant 2 : i32
        %add3A_405 = arith.addi %add3A_377, %add3A_404 : i32
        %get3A_406 = arith.index_cast %add3A_405 : i32 to index
        %get3A_407 = arith.constant 0 : index
        %get3A_408 = tpu.vector_load %arg6[%get3A_406, %get3A_407] {strides = array<i32>} : memref<101x32xf32, #tpu.memory_space<vmem>>, vector<16xf32>,
        %get3A_409 = arith.index_cast %add3A_405 : i32 to index
        %get3A_410 = arith.constant 0 : index
        %get3A_411 = tpu.vector_load %arg7[%get3A_409, %get3A_410] {strides = array<i32>} : memref<101x32xf32, #tpu.memory_space<vmem>>, vector<16xf32>,
        %add3A_412 = arith.addf %get3A_408, %get3A_411 : vector<16xf32>
        %gt3A_413 = arith.cmpf ogt, %add3A_412, %select_n3A_401 : vector<16xf32>
        %select_n3A_414 = arith.select %gt3A_413, %add3A_412, %select_n3A_401 : vector<16xi1>, vector<16xf32>
        %broadcast_in_dim3A_415 = vector.broadcast %add3A_405 : i32 to vector<16xi32>
        %select_n3A_416 = arith.select %gt3A_413, %broadcast_in_dim3A_415, %select_n3A_403 : vector<16xi1>, vector<16xi32>
        %add3A_417 = arith.constant 3 : i32
        %add3A_418 = arith.addi %add3A_377, %add3A_417 : i32
        %get3A_419 = arith.index_cast %add3A_418 : i32 to index
        %get3A_420 = arith.constant 0 : index
        %get3A_421 = tpu.vector_load %arg6[%get3A_419, %get3A_420] {strides = array<i32>} : memref<101x32xf32, #tpu.memory_space<vmem>>, vector<16xf32>,
        %get3A_422 = arith.index_cast %add3A_418 : i32 to index
        %get3A_423 = arith.constant 0 : index
        %get3A_424 = tpu.vector_load %arg7[%get3A_422, %get3A_423] {strides = array<i32>} : memref<101x32xf32, #tpu.memory_space<vmem>>, vector<16xf32>,
        %add3A_425 = arith.addf %get3A_421, %get3A_424 : vector<16xf32>
        %gt3A_426 = arith.cmpf ogt, %add3A_425, %select_n3A_414 : vector<16xf32>
        %select_n3A_427 = arith.select %gt3A_426, %add3A_425, %select_n3A_414 : vector<16xi1>, vector<16xf32>
        %broadcast_in_dim3A_428 = vector.broadcast %add3A_418 : i32 to vector<16xi32>
        %select_n3A_429 = arith.select %gt3A_426, %broadcast_in_dim3A_428, %select_n3A_416 : vector<16xi1>, vector<16xi32>
        %add3A_430 = arith.constant 4 : i32
        %add3A_431 = arith.addi %add3A_377, %add3A_430 : i32
        %get3A_432 = arith.index_cast %add3A_431 : i32 to index
        %get3A_433 = arith.constant 0 : index
        %get3A_434 = tpu.vector_load %arg6[%get3A_432, %get3A_433] {strides = array<i32>} : memref<101x32xf32, #tpu.memory_space<vmem>>, vector<16xf32>,
        %get3A_435 = arith.index_cast %add3A_431 : i32 to index
        %get3A_436 = arith.constant 0 : index
        %get3A_437 = tpu.vector_load %arg7[%get3A_435, %get3A_436] {strides = array<i32>} : memref<101x32xf32, #tpu.memory_space<vmem>>, vector<16xf32>,
        %add3A_438 = arith.addf %get3A_434, %get3A_437 : vector<16xf32>
        %gt3A_439 = arith.cmpf ogt, %add3A_438, %select_n3A_427 : vector<16xf32>
        %select_n3A_440 = arith.select %gt3A_439, %add3A_438, %select_n3A_427 : vector<16xi1>, vector<16xf32>
        %broadcast_in_dim3A_441 = vector.broadcast %add3A_431 : i32 to vector<16xi32>
        %select_n3A_442 = arith.select %gt3A_439, %broadcast_in_dim3A_441, %select_n3A_429 : vector<16xi1>, vector<16xi32>
        %add3A_443 = arith.constant 5 : i32
        %add3A_444 = arith.addi %add3A_377, %add3A_443 : i32
        %get3A_445 = arith.index_cast %add3A_444 : i32 to index
        %get3A_446 = arith.constant 0 : index
        %get3A_447 = tpu.vector_load %arg6[%get3A_445, %get3A_446] {strides = array<i32>} : memref<101x32xf32, #tpu.memory_space<vmem>>, vector<16xf32>,
        %get3A_448 = arith.index_cast %add3A_444 : i32 to index
        %get3A_449 = arith.constant 0 : index
        %get3A_450 = tpu.vector_load %arg7[%get3A_448, %get3A_449] {strides = array<i32>} : memref<101x32xf32, #tpu.memory_space<vmem>>, vector<16xf32>,
        %add3A_451 = arith.addf %get3A_447, %get3A_450 : vector<16xf32>
        %gt3A_452 = arith.cmpf ogt, %add3A_451, %select_n3A_440 : vector<16xf32>
        %select_n3A_453 = arith.select %gt3A_452, %add3A_451, %select_n3A_440 : vector<16xi1>, vector<16xf32>
        %broadcast_in_dim3A_454 = vector.broadcast %add3A_444 : i32 to vector<16xi32>
        %select_n3A_455 = arith.select %gt3A_452, %broadcast_in_dim3A_454, %select_n3A_442 : vector<16xi1>, vector<16xi32>
        %add3A_456 = arith.constant 6 : i32
        %add3A_457 = arith.addi %add3A_377, %add3A_456 : i32
        %get3A_458 = arith.index_cast %add3A_457 : i32 to index
        %get3A_459 = arith.constant 0 : index
        %get3A_460 = tpu.vector_load %arg6[%get3A_458, %get3A_459] {strides = array<i32>} : memref<101x32xf32, #tpu.memory_space<vmem>>, vector<16xf32>,
        %get3A_461 = arith.index_cast %add3A_457 : i32 to index
        %get3A_462 = arith.constant 0 : index
        %get3A_463 = tpu.vector_load %arg7[%get3A_461, %get3A_462] {strides = array<i32>} : memref<101x32xf32, #tpu.memory_space<vmem>>, vector<16xf32>,
        %add3A_464 = arith.addf %get3A_460, %get3A_463 : vector<16xf32>
        %gt3A_465 = arith.cmpf ogt, %add3A_464, %select_n3A_453 : vector<16xf32>
        %select_n3A_466 = arith.select %gt3A_465, %add3A_464, %select_n3A_453 : vector<16xi1>, vector<16xf32>
        %broadcast_in_dim3A_467 = vector.broadcast %add3A_457 : i32 to vector<16xi32>
        %select_n3A_468 = arith.select %gt3A_465, %broadcast_in_dim3A_467, %select_n3A_455 : vector<16xi1>, vector<16xi32>
        %add3A_469 = arith.constant 7 : i32
        %add3A_470 = arith.addi %add3A_377, %add3A_469 : i32
        %get3A_471 = arith.index_cast %add3A_470 : i32 to index
        %get3A_472 = arith.constant 0 : index
        %get3A_473 = tpu.vector_load %arg6[%get3A_471, %get3A_472] {strides = array<i32>} : memref<101x32xf32, #tpu.memory_space<vmem>>, vector<16xf32>,
        %get3A_474 = arith.index_cast %add3A_470 : i32 to index
        %get3A_475 = arith.constant 0 : index
        %get3A_476 = tpu.vector_load %arg7[%get3A_474, %get3A_475] {strides = array<i32>} : memref<101x32xf32, #tpu.memory_space<vmem>>, vector<16xf32>,
        %add3A_477 = arith.addf %get3A_473, %get3A_476 : vector<16xf32>
        %gt3A_478 = arith.cmpf ogt, %add3A_477, %select_n3A_466 : vector<16xf32>
        %select_n3A_479 = arith.select %gt3A_478, %add3A_477, %select_n3A_466 : vector<16xi1>, vector<16xf32>
        %broadcast_in_dim3A_480 = vector.broadcast %add3A_470 : i32 to vector<16xi32>
        %select_n3A_481 = arith.select %gt3A_478, %broadcast_in_dim3A_480, %select_n3A_468 : vector<16xi1>, vector<16xi32>
        scf.yield %select_n3A_479, %select_n3A_481 : vector<16xf32>, vector<16xi32>
      }
      %scan3A_219 = arith.constant 12 : i32
      %get3A_220 = arith.constant 97 : i32
      %get3A_221 = arith.index_cast %get3A_220 : i32 to index
      %get3A_222 = arith.constant 0 : index
      %get3A_223 = tpu.vector_load %arg6[%get3A_221, %get3A_222] {strides = array<i32>} : memref<101x32xf32, #tpu.memory_space<vmem>>, vector<16xf32>,
      %get3A_224 = arith.constant 97 : i32
      %get3A_225 = arith.index_cast %get3A_224 : i32 to index
      %get3A_226 = arith.constant 0 : index
      %get3A_227 = tpu.vector_load %arg7[%get3A_225, %get3A_226] {strides = array<i32>} : memref<101x32xf32, #tpu.memory_space<vmem>>, vector<16xf32>,
      %add3A_228 = arith.addf %get3A_223, %get3A_227 : vector<16xf32>
      %gt3A_229 = arith.cmpf ogt, %add3A_228, %scan3A_218#0 : vector<16xf32>
      %select_n3A_230 = arith.select %gt3A_229, %add3A_228, %scan3A_218#0 : vector<16xi1>, vector<16xf32>
      %jit3A_231 = arith.constant 97 : i32
      %broadcast_in_dim3A_232 = vector.broadcast %jit3A_231 : i32 to vector<16xi32>
      %select_n3A_233 = arith.select %gt3A_229, %broadcast_in_dim3A_232, %scan3A_218#1 : vector<16xi1>, vector<16xi32>
      %get3A_234 = arith.constant 98 : i32
      %get3A_235 = arith.index_cast %get3A_234 : i32 to index
      %get3A_236 = arith.constant 0 : index
      %get3A_237 = tpu.vector_load %arg6[%get3A_235, %get3A_236] {strides = array<i32>} : memref<101x32xf32, #tpu.memory_space<vmem>>, vector<16xf32>,
      %get3A_238 = arith.constant 98 : i32
      %get3A_239 = arith.index_cast %get3A_238 : i32 to index
      %get3A_240 = arith.constant 0 : index
      %get3A_241 = tpu.vector_load %arg7[%get3A_239, %get3A_240] {strides = array<i32>} : memref<101x32xf32, #tpu.memory_space<vmem>>, vector<16xf32>,
      %add3A_242 = arith.addf %get3A_237, %get3A_241 : vector<16xf32>
      %gt3A_243 = arith.cmpf ogt, %add3A_242, %select_n3A_230 : vector<16xf32>
      %select_n3A_244 = arith.select %gt3A_243, %add3A_242, %select_n3A_230 : vector<16xi1>, vector<16xf32>
      %jit3A_245 = arith.constant 98 : i32
      %broadcast_in_dim3A_246 = vector.broadcast %jit3A_245 : i32 to vector<16xi32>
      %select_n3A_247 = arith.select %gt3A_243, %broadcast_in_dim3A_246, %select_n3A_233 : vector<16xi1>, vector<16xi32>
      %get3A_248 = arith.constant 99 : i32
      %get3A_249 = arith.index_cast %get3A_248 : i32 to index
      %get3A_250 = arith.constant 0 : index
      %get3A_251 = tpu.vector_load %arg6[%get3A_249, %get3A_250] {strides = array<i32>} : memref<101x32xf32, #tpu.memory_space<vmem>>, vector<16xf32>,
      %get3A_252 = arith.constant 99 : i32
      %get3A_253 = arith.index_cast %get3A_252 : i32 to index
      %get3A_254 = arith.constant 0 : index
      %get3A_255 = tpu.vector_load %arg7[%get3A_253, %get3A_254] {strides = array<i32>} : memref<101x32xf32, #tpu.memory_space<vmem>>, vector<16xf32>,
      %add3A_256 = arith.addf %get3A_251, %get3A_255 : vector<16xf32>
      %gt3A_257 = arith.cmpf ogt, %add3A_256, %select_n3A_244 : vector<16xf32>
      %select_n3A_258 = arith.select %gt3A_257, %add3A_256, %select_n3A_244 : vector<16xi1>, vector<16xf32>
      %jit3A_259 = arith.constant 99 : i32
      %broadcast_in_dim3A_260 = vector.broadcast %jit3A_259 : i32 to vector<16xi32>
      %select_n3A_261 = arith.select %gt3A_257, %broadcast_in_dim3A_260, %select_n3A_247 : vector<16xi1>, vector<16xi32>
      %get3A_262 = arith.constant 100 : i32
      %get3A_263 = arith.index_cast %get3A_262 : i32 to index
      %get3A_264 = arith.constant 0 : index
      %get3A_265 = tpu.vector_load %arg6[%get3A_263, %get3A_264] {strides = array<i32>} : memref<101x32xf32, #tpu.memory_space<vmem>>, vector<16xf32>,
      %get3A_266 = arith.constant 100 : i32
      %get3A_267 = arith.index_cast %get3A_266 : i32 to index
      %get3A_268 = arith.constant 0 : index
      %get3A_269 = tpu.vector_load %arg7[%get3A_267, %get3A_268] {strides = array<i32>} : memref<101x32xf32, #tpu.memory_space<vmem>>, vector<16xf32>,
      %add3A_270 = arith.addf %get3A_265, %get3A_269 : vector<16xf32>
      %gt3A_271 = arith.cmpf ogt, %add3A_270, %select_n3A_258 : vector<16xf32>
      %select_n3A_272 = arith.select %gt3A_271, %add3A_270, %select_n3A_258 : vector<16xi1>, vector<16xf32>
      %jit3A_273 = arith.constant 100 : i32
      %broadcast_in_dim3A_274 = vector.broadcast %jit3A_273 : i32 to vector<16xi32>
      %select_n3A_275 = arith.select %gt3A_271, %broadcast_in_dim3A_274, %select_n3A_261 : vector<16xi1>, vector<16xi32>
      %sub3A_276 = arith.subf %sub3A, %select_n3A_272 : vector<16xf32>
      %add3A_277 = arith.constant 0 : i32
      %add3A_278 = vector.broadcast %add3A_277 : i32 to vector<16xi32>
      %add3A_279 = arith.addi %iota3A, %add3A_278 : vector<16xi32>
      %ne3A_280 = arith.constant 0 : i32
      %ne3A_281 = vector.broadcast %ne3A_280 : i32 to vector<16xi32>
      %ne3A_282 = arith.cmpi ne, %select_n3A_275, %ne3A_281 : vector<16xi32>
      tpu.vector_store_idx %arg7[%select_n3A_275, %add3A_279], %broadcast_in_dim3A_5 masked %ne3A_282 : memref<101x32xf32, #tpu.memory_space<vmem>>[vector<16xi32>, vector<16xi32>], vector<16xf32>, vector<16xi1>
      %add3A_283 = arith.constant 0 : i32
      %add3A_284 = vector.broadcast %add3A_283 : i32 to vector<16xi32>
      %add3A_285 = arith.addi %iota3A, %add3A_284 : vector<16xi32>
      tpu.vector_store_idx %arg8[%broadcast_in_dim3A_207, %add3A_285], %select_n3A_275 : memref<100x32xi32, #tpu.memory_space<vmem>>[vector<16xi32>, vector<16xi32>], vector<16xi32>,
      %get3A_286 = arith.constant 0 : i32
      %get3A_287 = arith.index_cast %get3A_286 : i32 to index
      %get3A_288 = arith.constant 16 : index
      %get3A_289 = tpu.vector_load %arg6[%get3A_287, %get3A_288] {strides = array<i32>} : memref<101x32xf32, #tpu.memory_space<vmem>>, vector<16xf32>,
      %broadcast_in_dim3A_290 = arith.constant 0 : i32
      %broadcast_in_dim3A_291 = vector.broadcast %broadcast_in_dim3A_290 : i32 to vector<16xi32>
      %scan3A_292 = arith.constant 0 : i32
      %scan3A_293 = arith.constant 12 : i32
      %scan3A_294 = arith.addi %scan3A_292, %scan3A_293 : i32
      %scan3A_295 = arith.constant 1 : i32
      %scan3A_296:2 = scf.for %scan3A_371 = %scan3A_292 to %scan3A_294 step %scan3A_295 iter_args(%scan3A_372 = %get3A_289, %scan3A_373 = %broadcast_in_dim3A_291) -> (vector<16xf32>, vector<16xi32>)  : i32 {
        %mul3A_374 = arith.constant 8 : i32
        %mul3A_375 = arith.muli %scan3A_371, %mul3A_374 : i32
        %add3A_376 = arith.constant 1 : i32
        %add3A_377 = arith.addi %add3A_376, %mul3A_375 : i32
        %add3A_378 = arith.constant 0 : i32
        %add3A_379 = arith.addi %add3A_377, %add3A_378 : i32
        %get3A_380 = arith.index_cast %add3A_379 : i32 to index
        %get3A_381 = arith.constant 16 : index
        %get3A_382 = tpu.vector_load %arg6[%get3A_380, %get3A_381] {strides = array<i32>} : memref<101x32xf32, #tpu.memory_space<vmem>>, vector<16xf32>,
        %get3A_383 = arith.index_cast %add3A_379 : i32 to index
        %get3A_384 = arith.constant 16 : index
        %get3A_385 = tpu.vector_load %arg7[%get3A_383, %get3A_384] {strides = array<i32>} : memref<101x32xf32, #tpu.memory_space<vmem>>, vector<16xf32>,
        %add3A_386 = arith.addf %get3A_382, %get3A_385 : vector<16xf32>
        %gt3A_387 = arith.cmpf ogt, %add3A_386, %scan3A_372 : vector<16xf32>
        %select_n3A_388 = arith.select %gt3A_387, %add3A_386, %scan3A_372 : vector<16xi1>, vector<16xf32>
        %broadcast_in_dim3A_389 = vector.broadcast %add3A_379 : i32 to vector<16xi32>
        %select_n3A_390 = arith.select %gt3A_387, %broadcast_in_dim3A_389, %scan3A_373 : vector<16xi1>, vector<16xi32>
        %add3A_391 = arith.constant 1 : i32
        %add3A_392 = arith.addi %add3A_377, %add3A_391 : i32
        %get3A_393 = arith.index_cast %add3A_392 : i32 to index
        %get3A_394 = arith.constant 16 : index
        %get3A_395 = tpu.vector_load %arg6[%get3A_393, %get3A_394] {strides = array<i32>} : memref<101x32xf32, #tpu.memory_space<vmem>>, vector<16xf32>,
        %get3A_396 = arith.index_cast %add3A_392 : i32 to index
        %get3A_397 = arith.constant 16 : index
        %get3A_398 = tpu.vector_load %arg7[%get3A_396, %get3A_397] {strides = array<i32>} : memref<101x32xf32, #tpu.memory_space<vmem>>, vector<16xf32>,
        %add3A_399 = arith.addf %get3A_395, %get3A_398 : vector<16xf32>
        %gt3A_400 = arith.cmpf ogt, %add3A_399, %select_n3A_388 : vector<16xf32>
        %select_n3A_401 = arith.select %gt3A_400, %add3A_399, %select_n3A_388 : vector<16xi1>, vector<16xf32>
        %broadcast_in_dim3A_402 = vector.broadcast %add3A_392 : i32 to vector<16xi32>
        %select_n3A_403 = arith.select %gt3A_400, %broadcast_in_dim3A_402, %select_n3A_390 : vector<16xi1>, vector<16xi32>
        %add3A_404 = arith.constant 2 : i32
        %add3A_405 = arith.addi %add3A_377, %add3A_404 : i32
        %get3A_406 = arith.index_cast %add3A_405 : i32 to index
        %get3A_407 = arith.constant 16 : index
        %get3A_408 = tpu.vector_load %arg6[%get3A_406, %get3A_407] {strides = array<i32>} : memref<101x32xf32, #tpu.memory_space<vmem>>, vector<16xf32>,
        %get3A_409 = arith.index_cast %add3A_405 : i32 to index
        %get3A_410 = arith.constant 16 : index
        %get3A_411 = tpu.vector_load %arg7[%get3A_409, %get3A_410] {strides = array<i32>} : memref<101x32xf32, #tpu.memory_space<vmem>>, vector<16xf32>,
        %add3A_412 = arith.addf %get3A_408, %get3A_411 : vector<16xf32>
        %gt3A_413 = arith.cmpf ogt, %add3A_412, %select_n3A_401 : vector<16xf32>
        %select_n3A_414 = arith.select %gt3A_413, %add3A_412, %select_n3A_401 : vector<16xi1>, vector<16xf32>
        %broadcast_in_dim3A_415 = vector.broadcast %add3A_405 : i32 to vector<16xi32>
        %select_n3A_416 = arith.select %gt3A_413, %broadcast_in_dim3A_415, %select_n3A_403 : vector<16xi1>, vector<16xi32>
        %add3A_417 = arith.constant 3 : i32
        %add3A_418 = arith.addi %add3A_377, %add3A_417 : i32
        %get3A_419 = arith.index_cast %add3A_418 : i32 to index
        %get3A_420 = arith.constant 16 : index
        %get3A_421 = tpu.vector_load %arg6[%get3A_419, %get3A_420] {strides = array<i32>} : memref<101x32xf32, #tpu.memory_space<vmem>>, vector<16xf32>,
        %get3A_422 = arith.index_cast %add3A_418 : i32 to index
        %get3A_423 = arith.constant 16 : index
        %get3A_424 = tpu.vector_load %arg7[%get3A_422, %get3A_423] {strides = array<i32>} : memref<101x32xf32, #tpu.memory_space<vmem>>, vector<16xf32>,
        %add3A_425 = arith.addf %get3A_421, %get3A_424 : vector<16xf32>
        %gt3A_426 = arith.cmpf ogt, %add3A_425, %select_n3A_414 : vector<16xf32>
        %select_n3A_427 = arith.select %gt3A_426, %add3A_425, %select_n3A_414 : vector<16xi1>, vector<16xf32>
        %broadcast_in_dim3A_428 = vector.broadcast %add3A_418 : i32 to vector<16xi32>
        %select_n3A_429 = arith.select %gt3A_426, %broadcast_in_dim3A_428, %select_n3A_416 : vector<16xi1>, vector<16xi32>
        %add3A_430 = arith.constant 4 : i32
        %add3A_431 = arith.addi %add3A_377, %add3A_430 : i32
        %get3A_432 = arith.index_cast %add3A_431 : i32 to index
        %get3A_433 = arith.constant 16 : index
        %get3A_434 = tpu.vector_load %arg6[%get3A_432, %get3A_433] {strides = array<i32>} : memref<101x32xf32, #tpu.memory_space<vmem>>, vector<16xf32>,
        %get3A_435 = arith.index_cast %add3A_431 : i32 to index
        %get3A_436 = arith.constant 16 : index
        %get3A_437 = tpu.vector_load %arg7[%get3A_435, %get3A_436] {strides = array<i32>} : memref<101x32xf32, #tpu.memory_space<vmem>>, vector<16xf32>,
        %add3A_438 = arith.addf %get3A_434, %get3A_437 : vector<16xf32>
        %gt3A_439 = arith.cmpf ogt, %add3A_438, %select_n3A_427 : vector<16xf32>
        %select_n3A_440 = arith.select %gt3A_439, %add3A_438, %select_n3A_427 : vector<16xi1>, vector<16xf32>
        %broadcast_in_dim3A_441 = vector.broadcast %add3A_431 : i32 to vector<16xi32>
        %select_n3A_442 = arith.select %gt3A_439, %broadcast_in_dim3A_441, %select_n3A_429 : vector<16xi1>, vector<16xi32>
        %add3A_443 = arith.constant 5 : i32
        %add3A_444 = arith.addi %add3A_377, %add3A_443 : i32
        %get3A_445 = arith.index_cast %add3A_444 : i32 to index
        %get3A_446 = arith.constant 16 : index
        %get3A_447 = tpu.vector_load %arg6[%get3A_445, %get3A_446] {strides = array<i32>} : memref<101x32xf32, #tpu.memory_space<vmem>>, vector<16xf32>,
        %get3A_448 = arith.index_cast %add3A_444 : i32 to index
        %get3A_449 = arith.constant 16 : index
        %get3A_450 = tpu.vector_load %arg7[%get3A_448, %get3A_449] {strides = array<i32>} : memref<101x32xf32, #tpu.memory_space<vmem>>, vector<16xf32>,
        %add3A_451 = arith.addf %get3A_447, %get3A_450 : vector<16xf32>
        %gt3A_452 = arith.cmpf ogt, %add3A_451, %select_n3A_440 : vector<16xf32>
        %select_n3A_453 = arith.select %gt3A_452, %add3A_451, %select_n3A_440 : vector<16xi1>, vector<16xf32>
        %broadcast_in_dim3A_454 = vector.broadcast %add3A_444 : i32 to vector<16xi32>
        %select_n3A_455 = arith.select %gt3A_452, %broadcast_in_dim3A_454, %select_n3A_442 : vector<16xi1>, vector<16xi32>
        %add3A_456 = arith.constant 6 : i32
        %add3A_457 = arith.addi %add3A_377, %add3A_456 : i32
        %get3A_458 = arith.index_cast %add3A_457 : i32 to index
        %get3A_459 = arith.constant 16 : index
        %get3A_460 = tpu.vector_load %arg6[%get3A_458, %get3A_459] {strides = array<i32>} : memref<101x32xf32, #tpu.memory_space<vmem>>, vector<16xf32>,
        %get3A_461 = arith.index_cast %add3A_457 : i32 to index
        %get3A_462 = arith.constant 16 : index
        %get3A_463 = tpu.vector_load %arg7[%get3A_461, %get3A_462] {strides = array<i32>} : memref<101x32xf32, #tpu.memory_space<vmem>>, vector<16xf32>,
        %add3A_464 = arith.addf %get3A_460, %get3A_463 : vector<16xf32>
        %gt3A_465 = arith.cmpf ogt, %add3A_464, %select_n3A_453 : vector<16xf32>
        %select_n3A_466 = arith.select %gt3A_465, %add3A_464, %select_n3A_453 : vector<16xi1>, vector<16xf32>
        %broadcast_in_dim3A_467 = vector.broadcast %add3A_457 : i32 to vector<16xi32>
        %select_n3A_468 = arith.select %gt3A_465, %broadcast_in_dim3A_467, %select_n3A_455 : vector<16xi1>, vector<16xi32>
        %add3A_469 = arith.constant 7 : i32
        %add3A_470 = arith.addi %add3A_377, %add3A_469 : i32
        %get3A_471 = arith.index_cast %add3A_470 : i32 to index
        %get3A_472 = arith.constant 16 : index
        %get3A_473 = tpu.vector_load %arg6[%get3A_471, %get3A_472] {strides = array<i32>} : memref<101x32xf32, #tpu.memory_space<vmem>>, vector<16xf32>,
        %get3A_474 = arith.index_cast %add3A_470 : i32 to index
        %get3A_475 = arith.constant 16 : index
        %get3A_476 = tpu.vector_load %arg7[%get3A_474, %get3A_475] {strides = array<i32>} : memref<101x32xf32, #tpu.memory_space<vmem>>, vector<16xf32>,
        %add3A_477 = arith.addf %get3A_473, %get3A_476 : vector<16xf32>
        %gt3A_478 = arith.cmpf ogt, %add3A_477, %select_n3A_466 : vector<16xf32>
        %select_n3A_479 = arith.select %gt3A_478, %add3A_477, %select_n3A_466 : vector<16xi1>, vector<16xf32>
        %broadcast_in_dim3A_480 = vector.broadcast %add3A_470 : i32 to vector<16xi32>
        %select_n3A_481 = arith.select %gt3A_478, %broadcast_in_dim3A_480, %select_n3A_468 : vector<16xi1>, vector<16xi32>
        scf.yield %select_n3A_479, %select_n3A_481 : vector<16xf32>, vector<16xi32>
      }
      %scan3A_297 = arith.constant 12 : i32
      %get3A_298 = arith.constant 97 : i32
      %get3A_299 = arith.index_cast %get3A_298 : i32 to index
      %get3A_300 = arith.constant 16 : index
      %get3A_301 = tpu.vector_load %arg6[%get3A_299, %get3A_300] {strides = array<i32>} : memref<101x32xf32, #tpu.memory_space<vmem>>, vector<16xf32>,
      %get3A_302 = arith.constant 97 : i32
      %get3A_303 = arith.index_cast %get3A_302 : i32 to index
      %get3A_304 = arith.constant 16 : index
      %get3A_305 = tpu.vector_load %arg7[%get3A_303, %get3A_304] {strides = array<i32>} : memref<101x32xf32, #tpu.memory_space<vmem>>, vector<16xf32>,
      %add3A_306 = arith.addf %get3A_301, %get3A_305 : vector<16xf32>
      %gt3A_307 = arith.cmpf ogt, %add3A_306, %scan3A_296#0 : vector<16xf32>
      %select_n3A_308 = arith.select %gt3A_307, %add3A_306, %scan3A_296#0 : vector<16xi1>, vector<16xf32>
      %jit3A_309 = arith.constant 97 : i32
      %broadcast_in_dim3A_310 = vector.broadcast %jit3A_309 : i32 to vector<16xi32>
      %select_n3A_311 = arith.select %gt3A_307, %broadcast_in_dim3A_310, %scan3A_296#1 : vector<16xi1>, vector<16xi32>
      %get3A_312 = arith.constant 98 : i32
      %get3A_313 = arith.index_cast %get3A_312 : i32 to index
      %get3A_314 = arith.constant 16 : index
      %get3A_315 = tpu.vector_load %arg6[%get3A_313, %get3A_314] {strides = array<i32>} : memref<101x32xf32, #tpu.memory_space<vmem>>, vector<16xf32>,
      %get3A_316 = arith.constant 98 : i32
      %get3A_317 = arith.index_cast %get3A_316 : i32 to index
      %get3A_318 = arith.constant 16 : index
      %get3A_319 = tpu.vector_load %arg7[%get3A_317, %get3A_318] {strides = array<i32>} : memref<101x32xf32, #tpu.memory_space<vmem>>, vector<16xf32>,
      %add3A_320 = arith.addf %get3A_315, %get3A_319 : vector<16xf32>
      %gt3A_321 = arith.cmpf ogt, %add3A_320, %select_n3A_308 : vector<16xf32>
      %select_n3A_322 = arith.select %gt3A_321, %add3A_320, %select_n3A_308 : vector<16xi1>, vector<16xf32>
      %jit3A_323 = arith.constant 98 : i32
      %broadcast_in_dim3A_324 = vector.broadcast %jit3A_323 : i32 to vector<16xi32>
      %select_n3A_325 = arith.select %gt3A_321, %broadcast_in_dim3A_324, %select_n3A_311 : vector<16xi1>, vector<16xi32>
      %get3A_326 = arith.constant 99 : i32
      %get3A_327 = arith.index_cast %get3A_326 : i32 to index
      %get3A_328 = arith.constant 16 : index
      %get3A_329 = tpu.vector_load %arg6[%get3A_327, %get3A_328] {strides = array<i32>} : memref<101x32xf32, #tpu.memory_space<vmem>>, vector<16xf32>,
      %get3A_330 = arith.constant 99 : i32
      %get3A_331 = arith.index_cast %get3A_330 : i32 to index
      %get3A_332 = arith.constant 16 : index
      %get3A_333 = tpu.vector_load %arg7[%get3A_331, %get3A_332] {strides = array<i32>} : memref<101x32xf32, #tpu.memory_space<vmem>>, vector<16xf32>,
      %add3A_334 = arith.addf %get3A_329, %get3A_333 : vector<16xf32>
      %gt3A_335 = arith.cmpf ogt, %add3A_334, %select_n3A_322 : vector<16xf32>
      %select_n3A_336 = arith.select %gt3A_335, %add3A_334, %select_n3A_322 : vector<16xi1>, vector<16xf32>
      %jit3A_337 = arith.constant 99 : i32
      %broadcast_in_dim3A_338 = vector.broadcast %jit3A_337 : i32 to vector<16xi32>
      %select_n3A_339 = arith.select %gt3A_335, %broadcast_in_dim3A_338, %select_n3A_325 : vector<16xi1>, vector<16xi32>
      %get3A_340 = arith.constant 100 : i32
      %get3A_341 = arith.index_cast %get3A_340 : i32 to index
      %get3A_342 = arith.constant 16 : index
      %get3A_343 = tpu.vector_load %arg6[%get3A_341, %get3A_342] {strides = array<i32>} : memref<101x32xf32, #tpu.memory_space<vmem>>, vector<16xf32>,
      %get3A_344 = arith.constant 100 : i32
      %get3A_345 = arith.index_cast %get3A_344 : i32 to index
      %get3A_346 = arith.constant 16 : index
      %get3A_347 = tpu.vector_load %arg7[%get3A_345, %get3A_346] {strides = array<i32>} : memref<101x32xf32, #tpu.memory_space<vmem>>, vector<16xf32>,
      %add3A_348 = arith.addf %get3A_343, %get3A_347 : vector<16xf32>
      %gt3A_349 = arith.cmpf ogt, %add3A_348, %select_n3A_336 : vector<16xf32>
      %select_n3A_350 = arith.select %gt3A_349, %add3A_348, %select_n3A_336 : vector<16xi1>, vector<16xf32>
      %jit3A_351 = arith.constant 100 : i32
      %broadcast_in_dim3A_352 = vector.broadcast %jit3A_351 : i32 to vector<16xi32>
      %select_n3A_353 = arith.select %gt3A_349, %broadcast_in_dim3A_352, %select_n3A_339 : vector<16xi1>, vector<16xi32>
      %sub3A_354 = arith.subf %sub3A_184, %select_n3A_350 : vector<16xf32>
      %add3A_355 = arith.constant 16 : i32
      %add3A_356 = vector.broadcast %add3A_355 : i32 to vector<16xi32>
      %add3A_357 = arith.addi %iota3A, %add3A_356 : vector<16xi32>
      %ne3A_358 = arith.constant 0 : i32
      %ne3A_359 = vector.broadcast %ne3A_358 : i32 to vector<16xi32>
      %ne3A_360 = arith.cmpi ne, %select_n3A_353, %ne3A_359 : vector<16xi32>
      tpu.vector_store_idx %arg7[%select_n3A_353, %add3A_357], %broadcast_in_dim3A_5 masked %ne3A_360 : memref<101x32xf32, #tpu.memory_space<vmem>>[vector<16xi32>, vector<16xi32>], vector<16xf32>, vector<16xi1>
      %add3A_361 = arith.constant 16 : i32
      %add3A_362 = vector.broadcast %add3A_361 : i32 to vector<16xi32>
      %add3A_363 = arith.addi %iota3A, %add3A_362 : vector<16xi32>
      tpu.vector_store_idx %arg8[%broadcast_in_dim3A_207, %add3A_363], %select_n3A_353 : memref<100x32xi32, #tpu.memory_space<vmem>>[vector<16xi32>, vector<16xi32>], vector<16xi32>,
      %add3A_364 = arith.constant 3 : i32
      %add3A_365 = arith.addi %mul3A_36, %add3A_364 : i32
      %lt3A_366 = arith.constant 100 : i32
      %lt3A_367 = arith.cmpi slt, %add3A_365, %lt3A_366 : i32
      %convert_element_type3A_368 = arith.extui %lt3A_367 : i1 to i32
      %cond3A_369 = arith.constant 0 : i32
      %cond3A_370 = arith.cmpi ne, %convert_element_type3A_368, %cond3A_369 : i32
      scf.if %cond3A_370 {
        %add3A_371 = arith.constant 3 : i32
        %add3A_372 = arith.addi %mul3A_36, %add3A_371 : i32
        %dma_start3A_373 = arith.constant 0 : i32
        %dma_start3A_374 = tpu.memref_slice %arg2[%add3A_372, %dma_start3A_373, %mul3A_2] : memref<100x101x1024xf32, #tpu.memory_space<hbm>> -> memref<1x101x32xf32, #tpu.memory_space<hbm>>
        %dma_start3A_375 = tpu.memref_squeeze %dma_start3A_374 : memref<1x101x32xf32, #tpu.memory_space<hbm>> -> memref<101x32xf32, #tpu.memory_space<hbm>>
        %dma_start3A_376 = arith.constant 0 : i32
        %dma_start3A_377 = tpu.memref_slice %arg2[%add3A_372, %dma_start3A_376, %mul3A_2] : memref<100x101x1024xf32, #tpu.memory_space<hbm>> -> memref<1x101x32xf32, #tpu.memory_space<hbm>>
        %dma_start3A_378 = tpu.memref_squeeze %dma_start3A_377 : memref<1x101x32xf32, #tpu.memory_space<hbm>> -> memref<101x32xf32, #tpu.memory_space<hbm>>
        tpu.enqueue_dma source(%dma_start3A_378 : memref<101x32xf32, #tpu.memory_space<hbm>>) target(%arg6 : memref<101x32xf32, #tpu.memory_space<vmem>>) target_semaphore(%arg11 : memref<!tpu.dma_semaphore, #tpu.memory_space<semaphore_mem>>)
      } else {
      }
      scf.yield %sub3A_276, %sub3A_354 : vector<16xf32>, vector<16xf32>
    }
    %scan3A_28 = arith.constant 50 : i32
    %swap3A = arith.constant 0 : index
    %swap3A_29 = tpu.vector_load %arg9[%swap3A] {strides = array<i32>} : memref<32xf32, #tpu.memory_space<vmem>>, vector<16xf32>,
    tpu.vector_store %arg9[%swap3A], %scan3A_27#0 {strides = array<i32>} : memref<32xf32, #tpu.memory_space<vmem>>, vector<16xf32>,
    %swap3A_30 = arith.constant 16 : index
    %swap3A_31 = tpu.vector_load %arg9[%swap3A_30] {strides = array<i32>} : memref<32xf32, #tpu.memory_space<vmem>>, vector<16xf32>,
    tpu.vector_store %arg9[%swap3A_30], %scan3A_27#1 {strides = array<i32>} : memref<32xf32, #tpu.memory_space<vmem>>, vector<16xf32>,
    "tpu.region"() ({
      %run_scoped3A = tpu.sem_alloc : memref<!tpu.dma_semaphore, #tpu.memory_space<semaphore_mem>>
      %dma_start3A_32 = arith.constant 0 : i32
      %dma_start3A_33 = tpu.memref_slice %arg4[%dma_start3A_32, %mul3A_2] : memref<100x1024xi32, #tpu.memory_space<hbm>> -> memref<100x32xi32, #tpu.memory_space<hbm>>
      %dma_start3A_34 = arith.constant 0 : i32
      %dma_start3A_35 = tpu.memref_slice %arg4[%dma_start3A_34, %mul3A_2] : memref<100x1024xi32, #tpu.memory_space<hbm>> -> memref<100x32xi32, #tpu.memory_space<hbm>>
      tpu.enqueue_dma source(%arg8 : memref<100x32xi32, #tpu.memory_space<vmem>>) target(%dma_start3A_35 : memref<100x32xi32, #tpu.memory_space<hbm>>) target_semaphore(%run_scoped3A : memref<!tpu.dma_semaphore, #tpu.memory_space<semaphore_mem>>)
      %dma_wait3A = arith.constant 0 : i32
      %dma_wait3A_36 = tpu.memref_slice %arg4[%dma_wait3A, %mul3A_2] : memref<100x1024xi32, #tpu.memory_space<hbm>> -> memref<100x32xi32, #tpu.memory_space<hbm>>
      %dma_wait3A_37 = arith.constant 0 : i32
      %dma_wait3A_38 = tpu.memref_slice %arg4[%dma_wait3A_37, %mul3A_2] : memref<100x1024xi32, #tpu.memory_space<hbm>> -> memref<100x32xi32, #tpu.memory_space<hbm>>
      tpu.wait_dma2 semaphore(%run_scoped3A : memref<!tpu.dma_semaphore, #tpu.memory_space<semaphore_mem>>) src(%arg8 : memref<100x32xi32, #tpu.memory_space<vmem>>) dst(%dma_wait3A_38 : memref<100x32xi32, #tpu.memory_space<hbm>>)
      tpu.yield
    }) : () -> ()
    "tpu.region"() ({
      %run_scoped3A = tpu.sem_alloc : memref<!tpu.dma_semaphore, #tpu.memory_space<semaphore_mem>>
      %dma_start3A_32 = tpu.memref_slice %arg3[%mul3A_2] : memref<1024xf32, #tpu.memory_space<hbm>> -> memref<32xf32, #tpu.memory_space<hbm>>
      %dma_start3A_33 = tpu.memref_slice %arg3[%mul3A_2] : memref<1024xf32, #tpu.memory_space<hbm>> -> memref<32xf32, #tpu.memory_space<hbm>>
      tpu.enqueue_dma source(%arg9 : memref<32xf32, #tpu.memory_space<vmem>>) target(%dma_start3A_33 : memref<32xf32, #tpu.memory_space<hbm>>) target_semaphore(%run_scoped3A : memref<!tpu.dma_semaphore, #tpu.memory_space<semaphore_mem>>)
      %dma_wait3A = tpu.memref_slice %arg3[%mul3A_2] : memref<1024xf32, #tpu.memory_space<hbm>> -> memref<32xf32, #tpu.memory_space<hbm>>
      %dma_wait3A_34 = tpu.memref_slice %arg3[%mul3A_2] : memref<1024xf32, #tpu.memory_space<hbm>> -> memref<32xf32, #tpu.memory_space<hbm>>
      tpu.wait_dma2 semaphore(%run_scoped3A : memref<!tpu.dma_semaphore, #tpu.memory_space<semaphore_mem>>) src(%arg9 : memref<32xf32, #tpu.memory_space<vmem>>) dst(%dma_wait3A_34 : memref<32xf32, #tpu.memory_space<hbm>>)
      tpu.yield
    }) : () -> ()
    return
  }
}

</mosaic_0001>

<sc_bundles>
// kernel: kernel.3.cloned.1.call-start
scs
__scs_entry_jumppad:
0x0: {  	(pc) =	sbr.rel $0x88, $3  }
0x1: {  	(tag) =	ssettag $0x0;
	lr =	simm.s32 $0x1  }
0x2: {  	[smem:$0x3FA0] =	sst lr;
	_ =	strace $0xD0000000  }
0x3: {  	_ = 	snop  }
0x4: {  	_ = 	snop  }
0x5: {  	_ = 	snop  }
0x6: {  	_ = 	snop  }
0x7: {  	_ = 	snop  }
__scs_overlays_trampoline_lowered:
0x8: {  	[smem:$0x3FAF] =	sst s0  }
0x9: {  	[smem:$0x3FB0] =	sst s1  }
0xa: {  	[smem:$0x3FB1] =	sst s2  }
0xb: {  	[smem:$0x3FB2] =	sst s3  }
0xc: {  	[smem:$0x3FB3] =	sst s4  }
0xd: {  	[smem:$0x3FB4] =	sst s5  }
0xe: {  	[smem:$0x3FB5] =	sst s6  }
0xf: {  	[smem:$0x3FB6] =	sst s7  }
0x10: {  	[smem:$0x3FB7] =	sst s8  }
0x11: {  	[smem:$0x3FB8] =	sst s9;
	s0 =	simm.s32 @!p0 $0x0  }
0x12: {  	s1 =	sld [smem:$0x3F9E];
	s0 =	simm.s32 @p0 $0x1  }
0x13: {  	[smem:$0x3FB9] =	sst s0;
	s0 =	simm.s32 @!p1 $0x0  }
0x14: {  	s2 =	sld [smem:$0x3F9D];
	s0 =	simm.s32 @p1 $0x1  }
0x15: {  	[smem:$0x3FBA] =	sst s0;
	s0 =	simm.s32 @!p2 $0x0  }
0x16: {  	s3 =	sld [smem:$0x3FDB];
	s0 =	simm.s32 @p2 $0x1  }
0x17: {  	s4 =	simm.s32 $0x1BF5;
	[smem:$0x3FBC] =	sst s0  }
0x18: {  	s0 =	sld [smem:$0x3F9F];
	_ =	swait.ge [sflag:s4], $0x0  }
0x19: {  	s7 =	sld [smem:$0x3FA0]  }
0x1a: {  	s8 =	sadd.s32 $0xFFFFE003, lr  }
0x1b: {  	s9 =	sadd.s32 $0xFFFFFEF7, lr;
	s5 =	simm.s32 $0xFFFFFFFF;
	p2 =	slt.u32 s8, $0xFFFFF086  }
0x1c: {  	p1 =	slt.u32 s9, $0xF7A;
	s5 =	simm.s32 @!p2 $0x0  }
0x1d: {  	s5 =	simm.s32 @p1 $0x1;
	p0 =	seq.s32 s7, s2  }
0x1e: {  	s7 =	smul.u32 @!p0 $0xF7A, s2;
	p2 =	seq.s32 @!p0 s5, $0x0  }
0x1f: {  	s9 =	smul.u32 $0xF7A, s1;
	s8 =	simm.s32 @!p0 $0x1BF5;
	p2 =	por !p2, p0  }
0x20: {  	[sflag:s8] =	ssyncset.s32 @!p0 $0xFFFFF086;
	s6 =	sadd.s32 @!p0 s3, s7;
	s7 =	simm.s32 @!p0 $0x108  }
0x21: {  	s3 =	sadd.s32 s3, s9;
	s6 =	sadd.s32 @!p0 $0x88, s6;
	s7 =	simm.s32 @p2 $0x1082  }
0x22: {  	[simem:s7], [sflag:s8] =	dma.local @!p0 [hbm:s6], $0xF7A  }
0x23: {  	s9 =	sor.u32 $0xD0000000, s2;
	s6 =	simm.s32 $0x108;
	_ =	swait.ge @!p0 [sflag:s8], $0x0  }
0x24: {  	s3 =	sadd.s32 $0x88, s3;
	s6 =	simm.s32 @!p1 $0x1082;
	[sflag:s4] =	ssyncset.s32 $0xFFFFF086  }
0x25: {  	[simem:s6], [sflag:s4] =	dma.local [hbm:s3], $0xF7A  }
0x26: {  	[smem:$0x3FA0] =	sst s1;
	(tag) =	ssettag s2;
	_ =	strace s9  }
0x27: {  	s1 =	sld [smem:$0x3FB0]  }
0x28: {  	s2 =	sld [smem:$0x3FB1]  }
0x29: {  	s4 =	sld [smem:$0x3FB3]  }
0x2a: {  	p0 =	seq.s32 s5, $0x0;
	s5 =	sld [smem:$0x3FB4]  }
0x2b: {  	s6 =	sld [smem:$0x3FB5]  }
0x2c: {  	s7 =	sld [smem:$0x3FB6]  }
0x2d: {  	s3 =	simm.s32 $0x108;
	s8 =	sld [smem:$0x3FB7]  }
0x2e: {  	s3 =	simm.s32 @!p0 $0x1082;
	s9 =	sld [smem:$0x3FB8]  }
0x2f: {  	lr =	sadd.s32 s0, s3;
	s0 =	sld [smem:$0x3FAF]  }
0x30: {  	s3 =	sld [smem:$0x3FB2]  }
0x31: {  	[smem:$0x3FBB] =	sst s10  }
0x32: {  	s10 =	sld [smem:$0x3FB9];
	_ =	sdelay $0x3  }
0x33: {  	p0 =	seq.s32 s10, $0x1;
	s10 =	sld [smem:$0x3FBB];
	_ =	sdelay $0x3  }
0x34: {  	[smem:$0x3FBB] =	sst s10  }
0x35: {  	s10 =	sld [smem:$0x3FBA];
	_ =	sdelay $0x3  }
0x36: {  	p1 =	seq.s32 s10, $0x1;
	s10 =	sld [smem:$0x3FBB];
	_ =	sdelay $0x3  }
0x37: {  	[smem:$0x3FBB] =	sst s10  }
0x38: {  	s10 =	sld [smem:$0x3FBC]  }
0x39: {  	_ = 	snop;
	(pc) =	sbr.ind lr, $3  }
0x3a: {  	_ = 	snop  }
0x3b: {  	_ = 	snop  }
0x3c: {  	p2 =	seq.s32 s10, $0x1;
	s10 =	sld [smem:$0x3FBB]  }
0x3d: {  	_ =	shalt  }
0x3e: {  	_ =	shalt  }
0x3f: {  	_ =	shalt  }
0x40: {  	_ =	shalt  }
0x41: {  	_ =	shalt  }
0x42: {  	_ =	shalt  }
0x43: {  	_ =	shalt  }
0x44: {  	_ =	shalt  }
0x45: {  	_ =	shalt  }
0x46: {  	_ =	shalt  }
0x47: {  	_ =	shalt  }
0x48: {  	_ =	shalt  }
0x49: {  	_ =	shalt  }
0x4a: {  	_ =	shalt  }
0x4b: {  	_ =	shalt  }
0x4c: {  	_ =	shalt  }
0x4d: {  	_ =	shalt  }
0x4e: {  	_ =	shalt  }
0x4f: {  	_ =	shalt  }
0x50: {  	_ =	shalt  }
0x51: {  	_ =	shalt  }
0x52: {  	_ =	shalt  }
0x53: {  	_ =	shalt  }
0x54: {  	_ =	shalt  }
0x55: {  	_ =	shalt  }
0x56: {  	_ =	shalt  }
0x57: {  	_ =	shalt  }
0x58: {  	_ =	shalt  }
0x59: {  	_ =	shalt  }
0x5a: {  	_ =	shalt  }
0x5b: {  	_ =	shalt  }
0x5c: {  	_ =	shalt  }
0x5d: {  	_ =	shalt  }
0x5e: {  	_ =	shalt  }
0x5f: {  	_ =	shalt  }
0x60: {  	_ =	shalt  }
0x61: {  	_ =	shalt  }
0x62: {  	_ =	shalt  }
0x63: {  	_ =	shalt  }
0x64: {  	_ =	shalt  }
0x65: {  	_ =	shalt  }
0x66: {  	_ =	shalt  }
0x67: {  	_ =	shalt  }
0x68: {  	_ =	shalt  }
0x69: {  	_ =	shalt  }
0x6a: {  	_ =	shalt  }
0x6b: {  	_ =	shalt  }
0x6c: {  	_ =	shalt  }
0x6d: {  	_ =	shalt  }
0x6e: {  	_ =	shalt  }
0x6f: {  	_ =	shalt  }
0x70: {  	_ =	shalt  }
0x71: {  	_ =	shalt  }
0x72: {  	_ =	shalt  }
0x73: {  	_ =	shalt  }
0x74: {  	_ =	shalt  }
0x75: {  	_ =	shalt  }
0x76: {  	_ =	shalt  }
0x77: {  	_ =	shalt  }
0x78: {  	_ =	shalt  }
0x79: {  	_ =	shalt  }
0x7a: {  	_ =	shalt  }
0x7b: {  	_ =	shalt  }
0x7c: {  	_ =	shalt  }
0x7d: {  	_ =	shalt  }
0x7e: {  	_ =	shalt  }
0x7f: {  	_ =	shalt  }
0x80: {  	_ =	shalt  }
0x81: {  	_ =	shalt  }
0x82: {  	_ =	shalt  }
0x83: {  	_ =	shalt  }
0x84: {  	_ =	shalt  }
0x85: {  	_ =	shalt  }
0x86: {  	_ =	shalt  }
0x87: {  	_ =	shalt  }
.Lfunc_end0:
.L_simem_size_0:
called_computation_lowered:
.L_overlay_start_0:
0x88: {  	s2 =	sld [smem:$0x3FD9]  }
0x89: {  	s3 =	sld [smem:$0x3FFE];
	_ =	sdelay $0x1  }
0x8a: {  	s1 =	srdreg.scid  }
0x8b: {  	s0 =	sand.u32 $0x1, s1  }
0x8c: {  	s14 =	sshll.u32 s0, $0xA;
	s2 =	sadd.s32 s3, s2  }
0x8d: {  	s2 =	sadd.s32 s2, s14  }
0x8e: {  	[smem:$0x3FC7] =	sst s2  }
0x8f: {  	_ = 	snop  }
0x90: {  	s2 =	sld [smem:$0x3FD0];
	_ =	sdelay $0x2  }
0x91: {  	s15 =	simm.s32 $0xA;
	s4 =	simm.s32 $0x10  }
0x92: {  	[smem:s4], [sflag:s15] =	dma.local [hbm:s2], $0x1  }
0x93: {  	_ =	swait.eq [sflag:s15], $0x1  }
0x94: {  	[sflag:s15] =	ssyncset.done $0x0  }
0x95: {  	[sflag:s15] =	ssyncadd.s32 $0xFFFFFFFF  }
0x96: {  	s16 =	sld [smem:$0x10];
	(tm) =	ssettm $0x1  }
0x97: {  	s17 =	sld [smem:$0x3FFB];
	_ =	sdelay $0x3  }
0x98: {  	_ =	strace s17  }
0x99: {  	s3 =	sld [smem:$0x3FFC];
	_ =	sdelay $0x3  }
0x9a: {  	_ =	strace s3  }
0x9b: {  	s3 =	sld [smem:$0x3FFD];
	_ =	sdelay $0x3  }
0x9c: {  	_ =	strace s3  }
0x9d: {  	_ =	strace $0x8FFFFFFF  }
0x9e: {  	s18 =	sld [smem:$0x3FDB];
	_ =	sdelay $0x1  }
0x9f: {  	s19 =	simm.s32 $_scs_section_size  }
0xa0: {  	s5 =	simm.s32 $_size__tile_overlayer_lowered;
	s6 =	simm.s32 $_tile_overlayer_lowered  }
0xa1: {  	s22 =	simm.s32 $0x1BFF;
	s21 =	sshll.u32 s6, $0x1;
	s3 =	sadd.s32 s19, s18  }
0xa2: {  	s7 =	simm.s32 $0x0;
	s20 =	sshll.u32 s5, $0x1;
	s5 =	sadd.s32 s21, s3  }
0xa3: {  	[timem:s7], [sflag:s22] =	dma.local [hbm:s5], s20  }
0xa4: {  	_ =	swait.ge [sflag:s22], s20  }
0xa5: {  	s4 =	ssub.s32 $0x0, s20;
	[sflag:s22] =	ssyncset.done $0x0  }
0xa6: {  	[sflag:s22] =	ssyncadd.s32 s4;
	_ =	sdelay $0x1  }
0xa7: {  	s23 =	simm.s32 $0x1B8B  }
0xa8: {  	_ =	swait.ge [sflag:s23], $0x1  }
0xa9: {  	[sflag:s23] =	ssyncset.done $0x0  }
0xaa: {  	s25 =	simm.s32 $0x1B8E;
	s24 =	sld [smem:$0x3FFE];
	[sflag:s23] =	ssyncadd.s32 $0xFFFFFFFF  }
0xab: {  	s26 =	simm.s32 $execute0_lowered;
	[smem:$0x3FD2] =	sst s25  }
0xac: {  	s5 =	sshll.u32 s26, $0x1;
	_ =	strace $0x80000046;
	[dreg:$0x1] =	wrdreg $0xFFFFFFFF  }
0xad: {  	s28 =	simm.s32 $_size_execute0_lowered;
	s3 =	sadd.s32 s3, s5;
	[dreg:$0x0] =	wrdreg $0x0  }
0xae: {  	s5 =	sshll.u32 s28, $0x1;
	[dreg:$0x2] =	wrdreg s3  }
0xaf: {  	[dreg:$0x3] =	wrdreg s5  }
0xb0: {  	[dreg:$0x4] =	wrdreg $0xC0  }
0xb1: {  	_ =	task [dreg:s7], $0x5FFFF  }
0xb2: {  	[dreg:$0x1] =	wrdreg $0xFFFFFFFF  }
0xb3: {  	[dreg:$0x0] =	wrdreg $0x60  }
0xb4: {  	[dreg:$0x2] =	wrdreg s24  }
0xb5: {  	[dreg:$0x3] =	wrdreg s16  }
0xb6: {  	[dreg:$0x4] =	wrdreg $0x9  }
0xb7: {  	_ =	task.clear_ibuf [dreg:s7], $0x5FFFF;
	_ =	strace $0x90000046  }
0xb8: {  	s29 =	simm.s32 $0x9;
	_ =	strace $0x80000048  }
0xb9: {  	_ =	swait.ge [sflag:s29], $0x1  }
0xba: {  	[sflag:s29] =	ssyncadd.s32 $0xFFFFFFFF  }
0xbb: {  	_ =	strace $0x90000048  }
0xbc: {  	_ =	sfence  }
0xbd: {  	s30 =	sld [smem:$0x0];
	_ =	sdelay $0x2  }
0xbe: {  	s31 =	sshll.u32 s1, $0xD;
	s1 =	sshrl.u32 s1, $0x2  }
0xbf: {  	s3 =	sand.u32 $0x4000, s31;
	s1 =	sadd.s32 s1, s30  }
0xc0: {  	s0 =	sor.u32 s3, s0;
	s1 =	sshll.u32 s1, $0x11  }
0xc1: {  	s0 =	sor.u32 s1, s0  }
0xc2: {  	s0 =	sadd.s32 $0x8F2B, s0  }
0xc3: {  	[sflag:s0] =	ssyncadd.remote.s32 $0x1  }
0xc4: {  	_ =	sfence.sel $0xFFFF  }
0xc5: {  	[dreg:$0x0] =	wrdreg $0xFFFFFFFF;
	(pc) =	sbr.abs _section_cstart, $3  }
0xc6: {  	[dreg:$0x1] =	wrdreg $0xFFFFFFFF  }
0xc7: {  	_ =	task.clear_ibuf [dreg:s7], $0x2FFFF;
	_ =	strace $0x9FFFFFFF  }
0xc8: {  	(tm) =	ssettm $0x7FFFFFFF  }
0xc9: {  	_ =	shalt  }
tec
execute0_lowered:
.L_overlay_start_1:
0x0: {  	(tag) =	ssettag $0x1  }
0x1: {  	s5 =	rddreg [dreg:$0x0]  }
0x2: {  	s9 =	rddreg [dreg:$0x1];
	s2 =	srdreg.scid  }
0x3: {  	s0 =	rddreg [dreg:$0x2];
	s1 =	stileid.u32;
	s13 =	simm.s32 $0xCA0  }
0x4: {  	s14 =	simm.s32 $0x1;
	s15 =	simm.s32 $0x1940;
	s16 =	simm.s32 $0x25E0  }
0x5: {  	s17 =	simm.s32 $0x2;
	s18 =	simm.s32 $0x3;
	s19 =	simm.s32 $0x3260  }
0x6: {  	s20 =	simm.s32 $0x0;
	s4 =	sand.u32 $0x1, s2;
	s2 =	simm.s32 $0x0  }
0x7: {  	s3 =	sshll.u32 s1, $0x6;
	s6 =	sshll.u32 s4, $0x5;
	[smem:$0x7FF] =	sst s2  }
0x8: {  	s31 =	ssub.s32 $0x2, s4;
	s7 =	sor.u32 s6, s3;
	s3 =	sadd.s32 $0x800, s5  }
.Ltmp0:
0x9: {  	_ =	strace $0x80000047;
	s8 =	sshrl.u32 s31, $0x1;
	(pc) =	sbr.rel .LBB2_1-.Ltmp0, $4  }
0xa: {  	s10 =	sshrl.u32 s7, $0x3;
	s12 =	ssub.s32 s31, s8;
	s6 =	sor.u32 $0x32800, s7  }
0xb: {  	s7 =	sor.u32 $0x4BC00, s7;
	s4 =	sadd.s32 s3, s10;
	s11 =	sadd.s32 s10, s5  }
0xc: {  	v0 =	vlaneseq.u32;
	s9 =	sadd.s32 s9, s10;
	s10 =	smax.u32 s12, $0x1;
	s12 =	simm.s32 $0x400  }
0xd: {  	v1 =	vimm.f32 $0.0e+00;
	v2 =	vimm.f32 $-2.000000000e+00;
	v3 =	vor.u32 $0x10, v0;
	s5 =	sadd.s32 $0x3280, s4;
	s8 =	sadd.s32 $0x13C200, s11;
	s11 =	simm.s32 $0x20  }
.LBB2_14:
0xe: {  	[tilespmem:$0x3260] =	vst v5  }
0xf: {  	[tilespmem:$0x3270] =	vst v4  }
0x10: {  	[hbm4b:s8+s11] =	stream.strided.scatter [tilespmem:s16], [sflag:$0x3], $0xC80, s12, s11, $0x38;
	[tilespmem:$0x3280] =	vst v63  }
0x11: {  	s20 =	sadd.s32 $0x1, s20;
	_ =	swait.ge [sflag:s18], $0xC80  }
0x12: {  	p0 =	sne.s32 s20, s10;
	[sflag:s18] =	ssyncset.done $0x0  }
.Ltmp1:
0x13: {  	[sflag:s18] =	ssyncadd.s32 $0xFFFFF380;
	(pc) =	sbr.rel @!p0 .LBB2_15-.Ltmp1, $4  }
0x14: {  	[hbm4b:s9+s2] =	stream.linear.scatter [tilespmem:s19], [sflag:$0x3], $0x20, $0x38;
	[tilespmem:$0x3280] =	vst v63  }
0x15: {  	_ =	swait.ge [sflag:s18], $0x20  }
0x16: {  	[sflag:s18] =	ssyncset.done $0x0  }
0x17: {  	[sflag:s18] =	ssyncadd.s32 $0xFFFFFFE0  }
.LBB2_1:
0x18: {  	s21 =	simm.s32 $0x80;
	s22 =	simm.s32 $0x0  }
.LBB2_2:
0x19: {  	p0 =	sne.s32 s21, $0x3200;
	[tilespmem:s22+$0x1940] =	vst v1;
	s23 =	smov.u32 s21;
	s21 =	sadd.s32 $0x80, s21  }
.Ltmp2:
0x1a: {  	[tilespmem:s22+$0x1950] =	vst v1;
	(pc) =	sbr.rel @p0 .LBB2_2-.Ltmp2, $2  }
0x1b: {  	_ =	sdelay $0x2  }
0x1c: {  	s22 =	sshra.s32 s23, $0x2  }
0x1d: {  	[tilespmem:s22+$0x1940] =	vst v1  }
0x1e: {  	[tilespmem:s22+$0x1950] =	vst v1;
	s21 =	simm.s32 $0x0  }
0x1f: {  	[tilespmem:s21], [sflag:$0x1] =	stream.strided.gather [hbm4b:s4+s11], $0xCA0, s12, s11, $0x38;
	[tilespmem:$0x3280] =	vst v63  }
0x20: {  	_ = 	snop  }
0x21: {  	v4 =	vimm.f32 $0.0e+00;
	v5 =	vimm.f32 $0.0e+00;
	[tilespmem:s13], [sflag:$0x2] =	stream.strided.gather [hbm4b:s5+s11], $0xCA0, s12, s11, $0x38;
	[tilespmem:$0x3280] =	vst v63  }
.LBB2_4:
0x22: {  	_ =	swait.ge [sflag:s14], $0xCA0  }
0x23: {  	[sflag:s14] =	ssyncset.done $0x0  }
0x24: {  	[sflag:s14] =	ssyncadd.s32 $0xFFFFF360  }
0x25: {  	s22 =	simm.s32 $0x80;
	v6 =	vld [tilespmem:$0x0]  }
0x26: {  	s23 =	simm.s32 $0x19C0;
	v7 =	vld [tilespmem:s22+$0xFFFFFFA0]  }
0x27: {  	v8 =	vld [tilespmem:s23+$0xFFFFFFA0]  }
0x28: {  	v9 =	vld [tilespmem:s22+$0xFFFFFFC0]  }
0x29: {  	v10 =	vld [tilespmem:s23+$0xFFFFFFC0]  }
0x2a: {  	v11 =	vld [tilespmem:s22+$0xFFFFFFE0]  }
0x2b: {  	v12 =	vld [tilespmem:s23+$0xFFFFFFE0]  }
0x2c: {  	v13 =	vld [tilespmem:s23+$0x0];
	v7 =	vadd.f32 v8, v7  }
0x2d: {  	v8 =	vld [tilespmem:s22+$0x0]  }
0x2e: {  	v9 =	vadd.f32 v10, v9;
	v10 =	vld [tilespmem:s22+$0x20];
	vm0 =	vgt.f32 v7, v6  }
0x2f: {  	v6 =	vsel vm0, v7, v6;
	v7 =	vld [tilespmem:s23+$0x20]  }
0x30: {  	v14 =	vld [tilespmem:s23+$0x40];
	v11 =	vadd.f32 v12, v11;
	vm1 =	vgt.f32 v9, v6  }
0x31: {  	v12 =	vld [tilespmem:s22+$0x40];
	v9 =	vsel vm1, v9, v6  }
0x32: {  	v15 =	vimm.s32 $0x0;
	s24 =	simm.s32 $0x1;
	v13 =	vadd.f32 v13, v8;
	v6 =	vld [tilespmem:s22+$0x60];
	vm2 =	vgt.f32 v11, v9  }
0x33: {  	s29 =	simm.s32 $0x2;
	v15 =	vsel vm0, s24, v15;
	v8 =	vld [tilespmem:s23+$0x60];
	v9 =	vsel vm2, v11, v9  }
0x34: {  	s30 =	simm.s32 $0x3;
	v11 =	vsel vm1, s29, v15;
	vm14 =	vgt.f32 v13, v9;
	v10 =	vadd.f32 v7, v10;
	v7 =	vld [tilespmem:s22+$0x80]  }
0x35: {  	s31 =	simm.s32 $0x4;
	s24 =	simm.s32 $0x180;
	v15 =	vsel vm2, s30, v11;
	v11 =	vld [tilespmem:s23+$0x80];
	v16 =	vsel vm14, v13, v9  }
0x36: {  	s28 =	simm.s32 $0x5;
	s25 =	simm.s32 $0x1AC0;
	v15 =	vsel vm14, s31, v15;
	v9 =	vld [tilespmem:s24+$0xFFFFFFA0];
	v13 =	vadd.f32 v14, v12;
	vm15 =	vgt.f32 v10, v16  }
0x37: {  	s26 =	simm.s32 $0x18;
	s23 =	simm.s32 $0x8;
	s22 =	simm.s32 $0x10;
	v12 =	vld [tilespmem:s25+$0xFFFFFFA0];
	v14 =	vsel vm15, v10, v16;
	v10 =	vsel vm15, s28, v15  }
.LBB2_5:
0x38: {  	p0 =	sne.s32 s26, $0x60;
	v15 =	vld [tilespmem:s24+$0xFFFFFFC0];
	s28 =	sadd.s32 $0xFFFFFFFE, s23;
	vm0 =	vgt.f32 v13, v14;
	v6 =	vadd.f32 v8, v6  }
0x39: {  	v8 =	vld [tilespmem:s25+$0xFFFFFFC0];
	v13 =	vsel vm0, v13, v14;
	v10 =	vsel vm0, s28, v10  }
0x3a: {  	s28 =	sadd.s32 $0xFFFFFFFF, s23;
	v14 =	vld [tilespmem:s24+$0xFFFFFFE0];
	vm0 =	vgt.f32 v6, v13;
	v7 =	vadd.f32 v11, v7  }
0x3b: {  	v11 =	vld [tilespmem:s25+$0xFFFFFFE0];
	v6 =	vsel vm0, v6, v13;
	v10 =	vsel vm0, s28, v10  }
0x3c: {  	v9 =	vadd.f32 v12, v9;
	v12 =	vld [tilespmem:s24+$0x0];
	vm0 =	vgt.f32 v7, v6  }
0x3d: {  	v13 =	vld [tilespmem:s25+$0x0];
	v6 =	vsel vm0, v7, v6;
	v7 =	vsel vm0, s23, v10;
	s23 =	smov.u32 s22;
	s22 =	smov.u32 s26  }
0x3e: {  	s28 =	sadd.s32 $0xFFFFFFF9, s23;
	vm0 =	vgt.f32 v9, v6;
	v8 =	vadd.f32 v8, v15;
	v10 =	vld [tilespmem:s24+$0x20]  }
0x3f: {  	v6 =	vsel vm0, v9, v6;
	v7 =	vsel vm0, s28, v7;
	v9 =	vld [tilespmem:s25+$0x20]  }
0x40: {  	s28 =	sadd.s32 $0xFFFFFFFA, s23;
	vm0 =	vgt.f32 v8, v6;
	v11 =	vadd.f32 v11, v14;
	v14 =	vld [tilespmem:s24+$0x40]  }
0x41: {  	v8 =	vsel vm0, v8, v6;
	v7 =	vsel vm0, s28, v7;
	v15 =	vld [tilespmem:s25+$0x40]  }
0x42: {  	s28 =	sadd.s32 $0xFFFFFFFB, s23;
	vm0 =	vgt.f32 v11, v8;
	v12 =	vadd.f32 v13, v12;
	v6 =	vld [tilespmem:s24+$0x60]  }
.Ltmp3:
0x43: {  	v11 =	vsel vm0, v11, v8;
	v13 =	vsel vm0, s28, v7;
	v8 =	vld [tilespmem:s25+$0x60];
	(pc) =	sbr.rel @p0 .LBB2_5-.Ltmp3, $4  }
0x44: {  	s28 =	sadd.s32 $0xFFFFFFFC, s23;
	vm0 =	vgt.f32 v12, v11;
	v10 =	vadd.f32 v9, v10;
	v7 =	vld [tilespmem:s24+$0x80]  }
0x45: {  	s24 =	sadd.s32 $0x100, s24;
	v16 =	vsel vm0, v12, v11;
	v17 =	vsel vm0, s28, v13;
	v11 =	vld [tilespmem:s25+$0x80]  }
0x46: {  	s28 =	sadd.s32 $0xFFFFFFFD, s23;
	s25 =	sadd.s32 $0x100, s25;
	v9 =	vld [tilespmem:s24+$0xFFFFFFA0];
	vm0 =	vgt.f32 v10, v16;
	v13 =	vadd.f32 v15, v14  }
0x47: {  	s26 =	sadd.s32 $0x8, s26;
	v12 =	vld [tilespmem:s25+$0xFFFFFFA0];
	v14 =	vsel vm0, v10, v16;
	v10 =	vsel vm0, s28, v17  }
0x48: {  	v15 =	vld [tilespmem:s24+$0xFFFFFFC0];
	vm0 =	vgt.f32 v13, v14;
	v6 =	vadd.f32 v8, v6  }
0x49: {  	v8 =	vld [tilespmem:s25+$0xFFFFFFC0];
	v13 =	vsel vm0, v13, v14  }
0x4a: {  	v14 =	vld [tilespmem:s24+$0xFFFFFFE0];
	vm1 =	vgt.f32 v6, v13;
	v7 =	vadd.f32 v11, v7  }
0x4b: {  	v11 =	vld [tilespmem:s25+$0xFFFFFFE0];
	v6 =	vsel vm1, v6, v13  }
0x4c: {  	v13 =	vld [tilespmem:s25+$0x0];
	v9 =	vadd.f32 v12, v9;
	vm4 =	vgt.f32 v7, v6  }
0x4d: {  	v12 =	vld [tilespmem:s24+$0x0];
	v6 =	vsel vm4, v7, v6  }
0x4e: {  	v7 =	vadd.f32 v8, v15;
	v8 =	vld [tilespmem:s24+$0x20];
	vm2 =	vgt.f32 v9, v6  }
0x4f: {  	v6 =	vsel vm2, v9, v6;
	v9 =	vld [tilespmem:s25+$0x20]  }
0x50: {  	v11 =	vadd.f32 v11, v14;
	v14 =	vld [tilespmem:s24+$0x40];
	vm3 =	vgt.f32 v7, v6  }
0x51: {  	v6 =	vsel vm3, v7, v6;
	v7 =	vld [tilespmem:s25+$0x40]  }
0x52: {  	v12 =	vadd.f32 v13, v12;
	v13 =	vld [tilespmem:s24+$0x60];
	vm5 =	vgt.f32 v11, v6  }
0x53: {  	v6 =	vsel vm5, v11, v6;
	v11 =	vld [tilespmem:s25+$0x60]  }
0x54: {  	vm6 =	vgt.f32 v12, v6;
	v8 =	vadd.f32 v9, v8;
	v9 =	vld [tilespmem:s24+$0x80]  }
0x55: {  	v6 =	vsel vm6, v12, v6;
	v12 =	vld [tilespmem:s25+$0x80]  }
0x56: {  	s30 =	sadd.s32 $0xFFFFFFFE, s23;
	vm7 =	vgt.f32 v8, v6;
	v7 =	vadd.f32 v7, v14;
	v14 =	vld [tilespmem:$0xC20]  }
0x57: {  	s31 =	sadd.s32 $0xFFFFFFFF, s23;
	v10 =	vsel vm0, s30, v10;
	v6 =	vsel vm7, v8, v6;
	v8 =	vld [tilespmem:$0x2560]  }
0x58: {  	v10 =	vsel vm1, s31, v10;
	vm0 =	vgt.f32 v7, v6;
	v11 =	vadd.f32 v11, v13;
	v13 =	vld [tilespmem:$0xC40]  }
0x59: {  	v10 =	vsel vm4, s23, v10;
	s25 =	sadd.s32 $0xFFFFFFF9, s22;
	v6 =	vsel vm0, v7, v6;
	v7 =	vld [tilespmem:$0x2580]  }
0x5a: {  	s26 =	sadd.s32 $0xFFFFFFFA, s22;
	v10 =	vsel vm2, s25, v10;
	vm1 =	vgt.f32 v11, v6;
	v9 =	vadd.f32 v12, v9;
	v12 =	vld [tilespmem:$0xC60]  }
0x5b: {  	s29 =	sadd.s32 $0xFFFFFFFB, s22;
	v10 =	vsel vm3, s26, v10;
	v6 =	vsel vm1, v11, v6;
	v11 =	vld [tilespmem:$0x25A0]  }
0x5c: {  	s30 =	sadd.s32 $0xFFFFFFFC, s22;
	v10 =	vsel vm5, s29, v10;
	vm2 =	vgt.f32 v9, v6;
	v8 =	vadd.f32 v8, v14;
	v14 =	vld [tilespmem:$0xC80]  }
0x5d: {  	s31 =	sadd.s32 $0xFFFFFFFD, s22;
	v10 =	vsel vm6, s30, v10;
	v6 =	vsel vm2, v9, v6;
	v9 =	vld [tilespmem:$0x25C0]  }
0x5e: {  	s24 =	sadd.s32 $0xFFFFFFFE, s22;
	v10 =	vsel vm7, s31, v10;
	vm3 =	vgt.f32 v8, v6;
	v7 =	vadd.f32 v7, v13  }
0x5f: {  	s25 =	sadd.s32 $0xFFFFFFFF, s22;
	v10 =	vsel vm0, s24, v10;
	v6 =	vsel vm3, v8, v6  }
0x60: {  	v8 =	vsel vm1, s25, v10;
	vm0 =	vgt.f32 v7, v6;
	v10 =	vadd.f32 v11, v12  }
0x61: {  	v8 =	vsel vm2, s22, v8;
	v7 =	vsel vm0, v7, v6  }
0x62: {  	v8 =	vsel vm3, $0x61, v8;
	vm1 =	vgt.f32 v10, v7;
	v6 =	vadd.f32 v9, v14  }
0x63: {  	v8 =	vsel vm0, $0x62, v8;
	v7 =	vsel vm1, v10, v7  }
0x64: {  	v8 =	vsel vm1, $0x63, v8;
	vm0 =	vgt.f32 v6, v7  }
0x65: {  	v8 =	vsel vm0, $0x64, v8  }
0x66: {  	vm1 =	vne.s32 v8, $0x0;
	v9 =	vshll.u32 v8, $0x5  }
0x67: {  	s23 =	sshll.u32 s21, $0x6;
	v9 =	vor.u32 v0, v9  }
0x68: {  	v10 =	vor.u32 s23, v0;
	_ =	sdelay $0x3  }
0x69: {  	[tilespmem:v9+s15+$0x0] =	vst.idx.msk vm1, v2  }
0x6a: {  	[tilespmem:v10+s16+$0x0] =	vst.idx.msk $0xffff, v8  }
0x6b: {  	s26 =	simm.s32 $0x90;
	v8 =	vld [tilespmem:$0x10]  }
0x6c: {  	s24 =	simm.s32 $0x19D0;
	v9 =	vld [tilespmem:s26+$0xFFFFFFA0]  }
0x6d: {  	v10 =	vld [tilespmem:s24+$0xFFFFFFA0]  }
0x6e: {  	v11 =	vld [tilespmem:s26+$0xFFFFFFC0]  }
0x6f: {  	v12 =	vld [tilespmem:s24+$0xFFFFFFC0]  }
0x70: {  	v13 =	vld [tilespmem:s26+$0xFFFFFFE0]  }
0x71: {  	v14 =	vld [tilespmem:s24+$0xFFFFFFE0]  }
0x72: {  	v15 =	vld [tilespmem:s24+$0x0];
	v9 =	vadd.f32 v10, v9  }
0x73: {  	v10 =	vld [tilespmem:s26+$0x0]  }
0x74: {  	v16 =	vld [tilespmem:s24+$0x20];
	v11 =	vadd.f32 v12, v11;
	vm1 =	vgt.f32 v9, v8  }
0x75: {  	v12 =	vld [tilespmem:s26+$0x20];
	v8 =	vsel vm1, v9, v8  }
0x76: {  	v17 =	vld [tilespmem:s26+$0x40];
	v13 =	vadd.f32 v14, v13;
	vm2 =	vgt.f32 v11, v8  }
0x77: {  	v18 =	vld [tilespmem:s24+$0x40];
	v8 =	vsel vm2, v11, v8  }
0x78: {  	s29 =	simm.s32 $0x1;
	v9 =	vld [tilespmem:s26+$0x60];
	v11 =	vimm.s32 $0x0;
	v14 =	vadd.f32 v15, v10;
	vm3 =	vgt.f32 v13, v8  }
0x79: {  	s30 =	simm.s32 $0x2;
	v10 =	vsel vm1, s29, v11;
	v11 =	vld [tilespmem:s24+$0x60];
	v8 =	vsel vm3, v13, v8  }
0x7a: {  	s31 =	simm.s32 $0x3;
	v19 =	vadd.f32 v16, v12;
	v13 =	vsel vm2, s30, v10;
	v10 =	vld [tilespmem:s26+$0x80];
	vm1 =	vgt.f32 v14, v8  }
0x7b: {  	s25 =	simm.s32 $0x190;
	s26 =	simm.s32 $0x4;
	v12 =	vsel vm3, s31, v13;
	v13 =	vsel vm1, v14, v8;
	v14 =	vld [tilespmem:s24+$0x80]  }
0x7c: {  	s28 =	simm.s32 $0x18;
	v16 =	vadd.f32 v18, v17;
	s29 =	simm.s32 $0x5;
	v20 =	vsel vm1, s26, v12;
	v12 =	vld [tilespmem:s25+$0xFFFFFFA0];
	s26 =	simm.s32 $0x1AD0;
	vm1 =	vgt.f32 v19, v13  }
0x7d: {  	s22 =	sshll.u32 s21, $0x1;
	v8 =	vmov s23;
	s24 =	simm.s32 $0x8;
	s23 =	simm.s32 $0x10;
	v15 =	vld [tilespmem:s26+$0xFFFFFFA0];
	v17 =	vsel vm1, v19, v13;
	v13 =	vsel vm1, s29, v20  }
.LBB2_7:
0x7e: {  	p0 =	sne.s32 s28, $0x60;
	v18 =	vld [tilespmem:s25+$0xFFFFFFC0];
	s29 =	sadd.s32 $0xFFFFFFFE, s24;
	vm1 =	vgt.f32 v16, v17;
	v9 =	vadd.f32 v11, v9  }
0x7f: {  	v11 =	vld [tilespmem:s26+$0xFFFFFFC0];
	v16 =	vsel vm1, v16, v17;
	v13 =	vsel vm1, s29, v13  }
0x80: {  	s29 =	sadd.s32 $0xFFFFFFFF, s24;
	v17 =	vld [tilespmem:s25+$0xFFFFFFE0];
	vm1 =	vgt.f32 v9, v16;
	v10 =	vadd.f32 v14, v10  }
0x81: {  	v14 =	vld [tilespmem:s26+$0xFFFFFFE0];
	v9 =	vsel vm1, v9, v16;
	v13 =	vsel vm1, s29, v13  }
0x82: {  	v12 =	vadd.f32 v15, v12;
	v15 =	vld [tilespmem:s25+$0x0];
	vm1 =	vgt.f32 v10, v9  }
0x83: {  	v16 =	vld [tilespmem:s26+$0x0];
	v9 =	vsel vm1, v10, v9;
	v10 =	vsel vm1, s24, v13;
	s24 =	smov.u32 s23;
	s23 =	smov.u32 s28  }
0x84: {  	s29 =	sadd.s32 $0xFFFFFFF9, s24;
	vm1 =	vgt.f32 v12, v9;
	v11 =	vadd.f32 v11, v18;
	v13 =	vld [tilespmem:s25+$0x20]  }
0x85: {  	v9 =	vsel vm1, v12, v9;
	v10 =	vsel vm1, s29, v10;
	v12 =	vld [tilespmem:s26+$0x20]  }
0x86: {  	s29 =	sadd.s32 $0xFFFFFFFA, s24;
	vm1 =	vgt.f32 v11, v9;
	v14 =	vadd.f32 v14, v17;
	v17 =	vld [tilespmem:s25+$0x40]  }
0x87: {  	v11 =	vsel vm1, v11, v9;
	v10 =	vsel vm1, s29, v10;
	v18 =	vld [tilespmem:s26+$0x40]  }
0x88: {  	s29 =	sadd.s32 $0xFFFFFFFB, s24;
	vm1 =	vgt.f32 v14, v11;
	v15 =	vadd.f32 v16, v15;
	v9 =	vld [tilespmem:s25+$0x60]  }
.Ltmp4:
0x89: {  	v14 =	vsel vm1, v14, v11;
	v16 =	vsel vm1, s29, v10;
	v11 =	vld [tilespmem:s26+$0x60];
	(pc) =	sbr.rel @p0 .LBB2_7-.Ltmp4, $4  }
0x8a: {  	s29 =	sadd.s32 $0xFFFFFFFC, s24;
	vm1 =	vgt.f32 v15, v14;
	v13 =	vadd.f32 v12, v13;
	v10 =	vld [tilespmem:s25+$0x80]  }
0x8b: {  	s25 =	sadd.s32 $0x100, s25;
	v19 =	vsel vm1, v15, v14;
	v20 =	vsel vm1, s29, v16;
	v14 =	vld [tilespmem:s26+$0x80]  }
0x8c: {  	s29 =	sadd.s32 $0xFFFFFFFD, s24;
	s26 =	sadd.s32 $0x100, s26;
	v12 =	vld [tilespmem:s25+$0xFFFFFFA0];
	vm1 =	vgt.f32 v13, v19;
	v16 =	vadd.f32 v18, v17  }
0x8d: {  	s28 =	sadd.s32 $0x8, s28;
	v15 =	vld [tilespmem:s26+$0xFFFFFFA0];
	v17 =	vsel vm1, v13, v19;
	v13 =	vsel vm1, s29, v20  }
0x8e: {  	v18 =	vld [tilespmem:s25+$0xFFFFFFC0];
	vm1 =	vgt.f32 v16, v17;
	v9 =	vadd.f32 v11, v9  }
0x8f: {  	v11 =	vld [tilespmem:s26+$0xFFFFFFC0];
	v16 =	vsel vm1, v16, v17  }
0x90: {  	v52 =	vld [tilespmem:s25+$0xFFFFFFE0];
	vm2 =	vgt.f32 v9, v16;
	v10 =	vadd.f32 v14, v10  }
0x91: {  	v14 =	vld [tilespmem:s26+$0xFFFFFFE0];
	v9 =	vsel vm2, v9, v16  }
0x92: {  	v53 =	vld [tilespmem:s26+$0x0];
	v12 =	vadd.f32 v15, v12;
	vm5 =	vgt.f32 v10, v9  }
0x93: {  	v15 =	vld [tilespmem:s25+$0x0];
	v9 =	vsel vm5, v10, v9  }
0x94: {  	v10 =	vadd.f32 v11, v18;
	v11 =	vld [tilespmem:s25+$0x20];
	vm3 =	vgt.f32 v12, v9  }
0x95: {  	v9 =	vsel vm3, v12, v9;
	v12 =	vld [tilespmem:s26+$0x20]  }
0x96: {  	v54 =	vld [tilespmem:s25+$0x40];
	v14 =	vadd.f32 v14, v52;
	vm4 =	vgt.f32 v10, v9  }
0x97: {  	v9 =	vsel vm4, v10, v9;
	v10 =	vld [tilespmem:s26+$0x40]  }
0x98: {  	v55 =	vld [tilespmem:s25+$0x60];
	v15 =	vadd.f32 v53, v15;
	vm6 =	vgt.f32 v14, v9  }
0x99: {  	v9 =	vsel vm6, v14, v9;
	v14 =	vld [tilespmem:s26+$0x60]  }
0x9a: {  	vm7 =	vgt.f32 v15, v9;
	v11 =	vadd.f32 v12, v11;
	v12 =	vld [tilespmem:s25+$0x80]  }
0x9b: {  	v9 =	vsel vm7, v15, v9;
	v15 =	vld [tilespmem:s26+$0x80]  }
0x9c: {  	s31 =	sadd.s32 $0xFFFFFFFE, s24;
	v56 =	vld [tilespmem:$0xC30];
	vm8 =	vgt.f32 v11, v9;
	v10 =	vadd.f32 v10, v54  }
0x9d: {  	v13 =	vsel vm1, s31, v13;
	s26 =	sadd.s32 $0xFFFFFFFF, s24;
	v9 =	vsel vm8, v11, v9;
	v11 =	vld [tilespmem:$0x2570]  }
0x9e: {  	v57 =	vld [tilespmem:$0xC50];
	v13 =	vsel vm2, s26, v13;
	vm12 =	vgt.f32 v10, v9;
	v14 =	vadd.f32 v14, v55  }
0x9f: {  	s29 =	sadd.s32 $0xFFFFFFF9, s23;
	v13 =	vsel vm5, s24, v13;
	v9 =	vsel vm12, v10, v9;
	v10 =	vld [tilespmem:$0x2590]  }
0xa0: {  	s30 =	sadd.s32 $0xFFFFFFFA, s23;
	v13 =	vsel vm3, s29, v13;
	vm13 =	vgt.f32 v14, v9;
	v12 =	vadd.f32 v15, v12;
	v15 =	vld [tilespmem:$0xC70]  }
0xa1: {  	s31 =	sadd.s32 $0xFFFFFFFB, s23;
	v13 =	vsel vm4, s30, v13;
	v9 =	vsel vm13, v14, v9;
	v14 =	vld [tilespmem:$0x25B0]  }
0xa2: {  	v58 =	vld [tilespmem:$0xC90];
	s25 =	sadd.s32 $0xFFFFFFFC, s23;
	v13 =	vsel vm6, s31, v13;
	vm14 =	vgt.f32 v12, v9;
	v11 =	vadd.f32 v11, v56  }
0xa3: {  	s26 =	sadd.s32 $0xFFFFFFFD, s23;
	v13 =	vsel vm7, s25, v13;
	v9 =	vsel vm14, v12, v9;
	v12 =	vld [tilespmem:$0x25D0]  }
0xa4: {  	s29 =	sadd.s32 $0xFFFFFFFE, s23;
	v13 =	vsel vm8, s26, v13;
	v10 =	vadd.f32 v10, v57;
	vm15 =	vgt.f32 v11, v9  }
0xa5: {  	s30 =	sadd.s32 $0xFFFFFFFF, s23;
	v13 =	vsel vm12, s29, v13;
	v9 =	vsel vm15, v11, v9  }
0xa6: {  	v11 =	vsel vm13, s30, v13;
	vm7 =	vgt.f32 v10, v9;
	v13 =	vadd.f32 v14, v15  }
0xa7: {  	v11 =	vsel vm14, s23, v11;
	v9 =	vsel vm7, v10, v9  }
0xa8: {  	v10 =	vsel vm15, $0x61, v11;
	vm8 =	vgt.f32 v13, v9;
	v11 =	vadd.f32 v12, v58  }
0xa9: {  	v10 =	vsel vm7, $0x62, v10;
	v9 =	vsel vm8, v13, v9  }
0xaa: {  	v10 =	vsel vm8, $0x63, v10;
	vm9 =	vgt.f32 v11, v9  }
0xab: {  	v10 =	vsel vm9, $0x64, v10  }
0xac: {  	vm10 =	vne.s32 v10, $0x0;
	v12 =	vshll.u32 v10, $0x5  }
0xad: {  	v12 =	vor.u32 v3, v12  }
0xae: {  	p0 =	seq.s32 s21, $0x31;
	v8 =	vor.u32 v3, v8  }
0xaf: {  	s23 =	smul.u32 @!p0 $0x32800, s21;
	_ =	sdelay $0x1  }
0xb0: {  	s23 =	sadd.s32 @!p0 s6, s23  }
0xb1: {  	s24 =	simm.s32 @!p0 $0x20;
	s23 =	sshrl.u32 @!p0 s23, $0x3;
	[tilespmem:v12+s15+$0x0] =	vst.idx.msk vm10, v2  }
0xb2: {  	s25 =	simm.s32 @!p0 $0x400;
	s26 =	simm.s32 @!p0 $0x0;
	s23 =	sadd.s32 @!p0 s3, s23;
	[tilespmem:v8+s16+$0x0] =	vst.idx.msk $0xffff, v10  }
0xb3: {  	[tilespmem:s26], [sflag:$0x1] =	stream.strided.gather @!p0 [hbm4b:s23+s24], $0xCA0, s25, s24, $0x38;
	[tilespmem:$0x3280] =	vst v63  }
0xb4: {  	_ =	swait.ge [sflag:s17], $0xCA0  }
0xb5: {  	[sflag:s17] =	ssyncset.done $0x0  }
0xb6: {  	[sflag:s17] =	ssyncadd.s32 $0xFFFFF360  }
0xb7: {  	s31 =	simm.s32 $0xD20;
	v8 =	vld [tilespmem:$0xCA0]  }
0xb8: {  	s24 =	simm.s32 $0x19C0;
	v10 =	vld [tilespmem:s31+$0xFFFFFFA0]  }
0xb9: {  	v12 =	vld [tilespmem:s24+$0xFFFFFFA0]  }
0xba: {  	v13 =	vld [tilespmem:s31+$0xFFFFFFC0]  }
0xbb: {  	v14 =	vld [tilespmem:s24+$0xFFFFFFC0]  }
0xbc: {  	v15 =	vld [tilespmem:s31+$0xFFFFFFE0]  }
0xbd: {  	v59 =	vld [tilespmem:s24+$0xFFFFFFE0]  }
0xbe: {  	v60 =	vld [tilespmem:s24+$0x0];
	v10 =	vadd.f32 v12, v10  }
0xbf: {  	v12 =	vld [tilespmem:s31+$0x0]  }
0xc0: {  	v13 =	vadd.f32 v14, v13;
	v14 =	vld [tilespmem:s31+$0x20];
	vm11 =	vgt.f32 v10, v8  }
0xc1: {  	v8 =	vsel vm11, v10, v8;
	v10 =	vld [tilespmem:s24+$0x20]  }
0xc2: {  	v61 =	vld [tilespmem:s31+$0x40];
	v15 =	vadd.f32 v59, v15;
	vm12 =	vgt.f32 v13, v8  }
0xc3: {  	v62 =	vsel vm0, v6, v7;
	v7 =	vsel vm12, v13, v8;
	v13 =	vld [tilespmem:s24+$0x40]  }
0xc4: {  	s26 =	simm.s32 $0x1;
	v6 =	vld [tilespmem:s31+$0x60];
	v8 =	vimm.s32 $0x0;
	v12 =	vadd.f32 v60, v12;
	vm13 =	vgt.f32 v15, v7  }
0xc5: {  	s29 =	simm.s32 $0x2;
	v9 =	vsel vm9, v11, v9;
	v11 =	vsel vm11, s26, v8;
	v8 =	vld [tilespmem:s24+$0x60];
	v15 =	vsel vm13, v15, v7  }
0xc6: {  	s30 =	simm.s32 $0x3;
	v11 =	vsel vm12, s29, v11;
	v7 =	vld [tilespmem:s31+$0x80];
	vm14 =	vgt.f32 v12, v15;
	v10 =	vadd.f32 v10, v14  }
0xc7: {  	v4 =	vsub.f32 v4, v9;
	s25 =	simm.s32 $0xE20;
	s31 =	simm.s32 $0x4;
	v14 =	vsel vm13, s30, v11;
	v11 =	vld [tilespmem:s24+$0x80];
	v15 =	vsel vm14, v12, v15  }
0xc8: {  	v9 =	vld [tilespmem:s25+$0xFFFFFFA0];
	s26 =	simm.s32 $0x1AC0;
	s29 =	simm.s32 $0x5;
	v63 =	vsel vm14, s31, v14;
	vm15 =	vgt.f32 v10, v15;
	v13 =	vadd.f32 v13, v61  }
0xc9: {  	s28 =	simm.s32 $0x18;
	v5 =	vsub.f32 v5, v62;
	s23 =	simm.s32 $0x10;
	s24 =	simm.s32 $0x8;
	v12 =	vld [tilespmem:s26+$0xFFFFFFA0];
	v14 =	vsel vm15, v10, v15;
	v10 =	vsel vm15, s29, v63  }
.LBB2_9:
0xca: {  	p1 =	sne.s32 s28, $0x60;
	v15 =	vld [tilespmem:s25+$0xFFFFFFC0];
	s29 =	sadd.s32 $0xFFFFFFFE, s24;
	vm0 =	vgt.f32 v13, v14;
	v6 =	vadd.f32 v8, v6  }
0xcb: {  	v8 =	vld [tilespmem:s26+$0xFFFFFFC0];
	v13 =	vsel vm0, v13, v14;
	v10 =	vsel vm0, s29, v10  }
0xcc: {  	s29 =	sadd.s32 $0xFFFFFFFF, s24;
	v14 =	vld [tilespmem:s25+$0xFFFFFFE0];
	vm0 =	vgt.f32 v6, v13;
	v7 =	vadd.f32 v11, v7  }
0xcd: {  	v11 =	vld [tilespmem:s26+$0xFFFFFFE0];
	v6 =	vsel vm0, v6, v13;
	v10 =	vsel vm0, s29, v10  }
0xce: {  	v9 =	vadd.f32 v12, v9;
	v12 =	vld [tilespmem:s25+$0x0];
	vm0 =	vgt.f32 v7, v6  }
0xcf: {  	v13 =	vld [tilespmem:s26+$0x0];
	v6 =	vsel vm0, v7, v6;
	v7 =	vsel vm0, s24, v10;
	s24 =	smov.u32 s23;
	s23 =	smov.u32 s28  }
0xd0: {  	s29 =	sadd.s32 $0xFFFFFFF9, s24;
	vm0 =	vgt.f32 v9, v6;
	v8 =	vadd.f32 v8, v15;
	v10 =	vld [tilespmem:s25+$0x20]  }
0xd1: {  	v6 =	vsel vm0, v9, v6;
	v7 =	vsel vm0, s29, v7;
	v9 =	vld [tilespmem:s26+$0x20]  }
0xd2: {  	s29 =	sadd.s32 $0xFFFFFFFA, s24;
	vm0 =	vgt.f32 v8, v6;
	v11 =	vadd.f32 v11, v14;
	v14 =	vld [tilespmem:s25+$0x40]  }
0xd3: {  	v8 =	vsel vm0, v8, v6;
	v7 =	vsel vm0, s29, v7;
	v15 =	vld [tilespmem:s26+$0x40]  }
0xd4: {  	s29 =	sadd.s32 $0xFFFFFFFB, s24;
	vm0 =	vgt.f32 v11, v8;
	v12 =	vadd.f32 v13, v12;
	v6 =	vld [tilespmem:s25+$0x60]  }
.Ltmp5:
0xd5: {  	v11 =	vsel vm0, v11, v8;
	v13 =	vsel vm0, s29, v7;
	v8 =	vld [tilespmem:s26+$0x60];
	(pc) =	sbr.rel @p1 .LBB2_9-.Ltmp5, $4  }
0xd6: {  	s29 =	sadd.s32 $0xFFFFFFFC, s24;
	vm0 =	vgt.f32 v12, v11;
	v10 =	vadd.f32 v9, v10;
	v7 =	vld [tilespmem:s25+$0x80]  }
0xd7: {  	s25 =	sadd.s32 $0x100, s25;
	v16 =	vsel vm0, v12, v11;
	v17 =	vsel vm0, s29, v13;
	v11 =	vld [tilespmem:s26+$0x80]  }
0xd8: {  	s29 =	sadd.s32 $0xFFFFFFFD, s24;
	s26 =	sadd.s32 $0x100, s26;
	v9 =	vld [tilespmem:s25+$0xFFFFFFA0];
	vm0 =	vgt.f32 v10, v16;
	v13 =	vadd.f32 v15, v14  }
0xd9: {  	s28 =	sadd.s32 $0x8, s28;
	v12 =	vld [tilespmem:s26+$0xFFFFFFA0];
	v14 =	vsel vm0, v10, v16;
	v10 =	vsel vm0, s29, v17  }
0xda: {  	v15 =	vld [tilespmem:s25+$0xFFFFFFC0];
	vm0 =	vgt.f32 v13, v14;
	v6 =	vadd.f32 v8, v6  }
0xdb: {  	v8 =	vld [tilespmem:s26+$0xFFFFFFC0];
	v13 =	vsel vm0, v13, v14  }
0xdc: {  	v14 =	vld [tilespmem:s25+$0xFFFFFFE0];
	vm1 =	vgt.f32 v6, v13;
	v7 =	vadd.f32 v11, v7  }
0xdd: {  	v11 =	vld [tilespmem:s26+$0xFFFFFFE0];
	v6 =	vsel vm1, v6, v13  }
0xde: {  	v13 =	vld [tilespmem:s26+$0x0];
	v9 =	vadd.f32 v12, v9;
	vm4 =	vgt.f32 v7, v6  }
0xdf: {  	v12 =	vld [tilespmem:s25+$0x0];
	v6 =	vsel vm4, v7, v6  }
0xe0: {  	v7 =	vadd.f32 v8, v15;
	v8 =	vld [tilespmem:s25+$0x20];
	vm2 =	vgt.f32 v9, v6  }
0xe1: {  	v6 =	vsel vm2, v9, v6;
	v9 =	vld [tilespmem:s26+$0x20]  }
0xe2: {  	v11 =	vadd.f32 v11, v14;
	v14 =	vld [tilespmem:s25+$0x40];
	vm3 =	vgt.f32 v7, v6  }
0xe3: {  	v6 =	vsel vm3, v7, v6;
	v7 =	vld [tilespmem:s26+$0x40]  }
0xe4: {  	v12 =	vadd.f32 v13, v12;
	v13 =	vld [tilespmem:s25+$0x60];
	vm5 =	vgt.f32 v11, v6  }
0xe5: {  	v6 =	vsel vm5, v11, v6;
	v11 =	vld [tilespmem:s26+$0x60]  }
0xe6: {  	vm6 =	vgt.f32 v12, v6;
	v8 =	vadd.f32 v9, v8;
	v9 =	vld [tilespmem:s25+$0x80]  }
0xe7: {  	v6 =	vsel vm6, v12, v6;
	v12 =	vld [tilespmem:s26+$0x80]  }
0xe8: {  	s29 =	sadd.s32 $0xFFFFFFFE, s24;
	vm7 =	vgt.f32 v8, v6;
	v7 =	vadd.f32 v7, v14;
	v14 =	vld [tilespmem:$0x18C0]  }
0xe9: {  	s30 =	sadd.s32 $0xFFFFFFFF, s24;
	v10 =	vsel vm0, s29, v10;
	v6 =	vsel vm7, v8, v6;
	v8 =	vld [tilespmem:$0x2560]  }
0xea: {  	v10 =	vsel vm1, s30, v10;
	vm0 =	vgt.f32 v7, v6;
	v11 =	vadd.f32 v11, v13;
	v13 =	vld [tilespmem:$0x18E0]  }
0xeb: {  	s31 =	sadd.s32 $0xFFFFFFF9, s23;
	v10 =	vsel vm4, s24, v10;
	v6 =	vsel vm0, v7, v6;
	v7 =	vld [tilespmem:$0x2580]  }
0xec: {  	v10 =	vsel vm2, s31, v10;
	s25 =	sadd.s32 $0xFFFFFFFA, s23;
	vm1 =	vgt.f32 v11, v6;
	v9 =	vadd.f32 v12, v9;
	v12 =	vld [tilespmem:$0x1900]  }
0xed: {  	v10 =	vsel vm3, s25, v10;
	s26 =	sadd.s32 $0xFFFFFFFB, s23;
	v6 =	vsel vm1, v11, v6;
	v11 =	vld [tilespmem:$0x25A0]  }
0xee: {  	s28 =	sadd.s32 $0xFFFFFFFC, s23;
	v10 =	vsel vm5, s26, v10;
	vm2 =	vgt.f32 v9, v6;
	v8 =	vadd.f32 v8, v14;
	v14 =	vld [tilespmem:$0x1920]  }
0xef: {  	s29 =	sadd.s32 $0xFFFFFFFD, s23;
	v10 =	vsel vm6, s28, v10;
	v6 =	vsel vm2, v9, v6;
	v9 =	vld [tilespmem:$0x25C0]  }
0xf0: {  	s30 =	sadd.s32 $0xFFFFFFFE, s23;
	v10 =	vsel vm7, s29, v10;
	vm3 =	vgt.f32 v8, v6;
	v7 =	vadd.f32 v7, v13  }
0xf1: {  	s31 =	sadd.s32 $0xFFFFFFFF, s23;
	v10 =	vsel vm0, s30, v10;
	v6 =	vsel vm3, v8, v6  }
0xf2: {  	v8 =	vsel vm1, s31, v10;
	vm0 =	vgt.f32 v7, v6;
	v10 =	vadd.f32 v11, v12  }
0xf3: {  	v8 =	vsel vm2, s23, v8;
	v7 =	vsel vm0, v7, v6  }
0xf4: {  	v8 =	vsel vm3, $0x61, v8;
	vm1 =	vgt.f32 v10, v7;
	v6 =	vadd.f32 v9, v14  }
0xf5: {  	v8 =	vsel vm0, $0x62, v8;
	v7 =	vsel vm1, v10, v7  }
0xf6: {  	v8 =	vsel vm1, $0x63, v8;
	vm0 =	vgt.f32 v6, v7  }
0xf7: {  	v8 =	vsel vm0, $0x64, v8  }
0xf8: {  	s22 =	sshll.u32 s22, $0x5;
	vm1 =	vne.s32 v8, $0x0;
	v9 =	vshll.u32 v8, $0x5  }
0xf9: {  	s22 =	sor.u32 $0x20, s22;
	v9 =	vor.u32 v0, v9  }
0xfa: {  	v10 =	vor.u32 s22, v0;
	_ =	sdelay $0x3  }
0xfb: {  	[tilespmem:v9+s15+$0x0] =	vst.idx.msk vm1, v2  }
0xfc: {  	[tilespmem:v10+s16+$0x0] =	vst.idx.msk $0xffff, v8  }
0xfd: {  	s24 =	simm.s32 $0xD30;
	v8 =	vld [tilespmem:$0xCB0]  }
0xfe: {  	s26 =	simm.s32 $0x19D0;
	v9 =	vld [tilespmem:s24+$0xFFFFFFA0]  }
0xff: {  	v10 =	vld [tilespmem:s26+$0xFFFFFFA0]  }
0x100: {  	v11 =	vld [tilespmem:s24+$0xFFFFFFC0]  }
0x101: {  	v12 =	vld [tilespmem:s26+$0xFFFFFFC0]  }
0x102: {  	v13 =	vld [tilespmem:s24+$0xFFFFFFE0]  }
0x103: {  	v14 =	vld [tilespmem:s26+$0xFFFFFFE0]  }
0x104: {  	v15 =	vld [tilespmem:s26+$0x0];
	v9 =	vadd.f32 v10, v9  }
0x105: {  	v10 =	vld [tilespmem:s24+$0x0]  }
0x106: {  	v16 =	vld [tilespmem:s26+$0x20];
	v11 =	vadd.f32 v12, v11;
	vm1 =	vgt.f32 v9, v8  }
0x107: {  	v12 =	vld [tilespmem:s24+$0x20];
	v8 =	vsel vm1, v9, v8  }
0x108: {  	v17 =	vld [tilespmem:s24+$0x40];
	v13 =	vadd.f32 v14, v13;
	vm2 =	vgt.f32 v11, v8  }
0x109: {  	v18 =	vld [tilespmem:s26+$0x40];
	v8 =	vsel vm2, v11, v8  }
0x10a: {  	s28 =	simm.s32 $0x1;
	v9 =	vld [tilespmem:s24+$0x60];
	v11 =	vimm.s32 $0x0;
	v14 =	vadd.f32 v15, v10;
	vm3 =	vgt.f32 v13, v8  }
0x10b: {  	s29 =	simm.s32 $0x2;
	v10 =	vsel vm1, s28, v11;
	v11 =	vld [tilespmem:s26+$0x60];
	v8 =	vsel vm3, v13, v8  }
0x10c: {  	s30 =	simm.s32 $0x3;
	v19 =	vadd.f32 v16, v12;
	v13 =	vsel vm2, s29, v10;
	v10 =	vld [tilespmem:s24+$0x80];
	vm1 =	vgt.f32 v14, v8  }
0x10d: {  	s25 =	simm.s32 $0x1AD0;
	s31 =	simm.s32 $0x4;
	v12 =	vsel vm3, s30, v13;
	v13 =	vsel vm1, v14, v8;
	v14 =	vld [tilespmem:s26+$0x80]  }
0x10e: {  	v16 =	vadd.f32 v18, v17;
	v15 =	vld [tilespmem:s25+$0xFFFFFFA0];
	s28 =	simm.s32 $0x5;
	s24 =	simm.s32 $0xE30;
	v20 =	vsel vm1, s31, v12;
	vm1 =	vgt.f32 v19, v13  }
0x10f: {  	s23 =	simm.s32 $0x8;
	v8 =	vmov s22;
	v12 =	vld [tilespmem:s24+$0xFFFFFFA0];
	s22 =	simm.s32 $0x10;
	s26 =	simm.s32 $0x18;
	v17 =	vsel vm1, v19, v13;
	v13 =	vsel vm1, s28, v20  }
.LBB2_11:
0x110: {  	p1 =	sne.s32 s26, $0x60;
	v18 =	vld [tilespmem:s24+$0xFFFFFFC0];
	s28 =	sadd.s32 $0xFFFFFFFE, s23;
	vm1 =	vgt.f32 v16, v17;
	v9 =	vadd.f32 v11, v9  }
0x111: {  	v11 =	vld [tilespmem:s25+$0xFFFFFFC0];
	v16 =	vsel vm1, v16, v17;
	v13 =	vsel vm1, s28, v13  }
0x112: {  	s28 =	sadd.s32 $0xFFFFFFFF, s23;
	v17 =	vld [tilespmem:s24+$0xFFFFFFE0];
	vm1 =	vgt.f32 v9, v16;
	v10 =	vadd.f32 v14, v10  }
0x113: {  	v14 =	vld [tilespmem:s25+$0xFFFFFFE0];
	v9 =	vsel vm1, v9, v16;
	v13 =	vsel vm1, s28, v13  }
0x114: {  	v12 =	vadd.f32 v15, v12;
	v15 =	vld [tilespmem:s24+$0x0];
	vm1 =	vgt.f32 v10, v9  }
0x115: {  	v16 =	vld [tilespmem:s25+$0x0];
	v9 =	vsel vm1, v10, v9;
	v10 =	vsel vm1, s23, v13;
	s23 =	smov.u32 s22;
	s22 =	smov.u32 s26  }
0x116: {  	s28 =	sadd.s32 $0xFFFFFFF9, s23;
	vm1 =	vgt.f32 v12, v9;
	v11 =	vadd.f32 v11, v18;
	v13 =	vld [tilespmem:s24+$0x20]  }
0x117: {  	v9 =	vsel vm1, v12, v9;
	v10 =	vsel vm1, s28, v10;
	v12 =	vld [tilespmem:s25+$0x20]  }
0x118: {  	s28 =	sadd.s32 $0xFFFFFFFA, s23;
	vm1 =	vgt.f32 v11, v9;
	v14 =	vadd.f32 v14, v17;
	v17 =	vld [tilespmem:s24+$0x40]  }
0x119: {  	v11 =	vsel vm1, v11, v9;
	v10 =	vsel vm1, s28, v10;
	v18 =	vld [tilespmem:s25+$0x40]  }
0x11a: {  	s28 =	sadd.s32 $0xFFFFFFFB, s23;
	vm1 =	vgt.f32 v14, v11;
	v15 =	vadd.f32 v16, v15;
	v9 =	vld [tilespmem:s24+$0x60]  }
.Ltmp6:
0x11b: {  	v14 =	vsel vm1, v14, v11;
	v16 =	vsel vm1, s28, v10;
	v11 =	vld [tilespmem:s25+$0x60];
	(pc) =	sbr.rel @p1 .LBB2_11-.Ltmp6, $4  }
0x11c: {  	s28 =	sadd.s32 $0xFFFFFFFC, s23;
	vm1 =	vgt.f32 v15, v14;
	v13 =	vadd.f32 v12, v13;
	v10 =	vld [tilespmem:s24+$0x80]  }
0x11d: {  	s24 =	sadd.s32 $0x100, s24;
	v19 =	vsel vm1, v15, v14;
	v20 =	vsel vm1, s28, v16;
	v14 =	vld [tilespmem:s25+$0x80]  }
0x11e: {  	s28 =	sadd.s32 $0xFFFFFFFD, s23;
	s25 =	sadd.s32 $0x100, s25;
	v12 =	vld [tilespmem:s24+$0xFFFFFFA0];
	vm1 =	vgt.f32 v13, v19;
	v16 =	vadd.f32 v18, v17  }
0x11f: {  	s26 =	sadd.s32 $0x8, s26;
	v15 =	vld [tilespmem:s25+$0xFFFFFFA0];
	v17 =	vsel vm1, v13, v19;
	v13 =	vsel vm1, s28, v20  }
0x120: {  	v18 =	vld [tilespmem:s24+$0xFFFFFFC0];
	vm1 =	vgt.f32 v16, v17;
	v9 =	vadd.f32 v11, v9  }
0x121: {  	v37 =	vld [tilespmem:s25+$0xFFFFFFC0];
	v16 =	vsel vm1, v16, v17  }
0x122: {  	v38 =	vld [tilespmem:s24+$0xFFFFFFE0];
	vm2 =	vgt.f32 v9, v16;
	v10 =	vadd.f32 v14, v10  }
0x123: {  	v39 =	vld [tilespmem:s25+$0xFFFFFFE0];
	v9 =	vsel vm2, v9, v16  }
0x124: {  	v40 =	vld [tilespmem:s24+$0x0];
	v12 =	vadd.f32 v15, v12;
	vm5 =	vgt.f32 v10, v9  }
0x125: {  	v41 =	vld [tilespmem:s25+$0x0];
	v9 =	vsel vm5, v10, v9  }
0x126: {  	v43 =	vld [tilespmem:s24+$0x20];
	v42 =	vadd.f32 v37, v18;
	vm3 =	vgt.f32 v12, v9  }
0x127: {  	v44 =	vld [tilespmem:s25+$0x20];
	v9 =	vsel vm3, v12, v9  }
0x128: {  	v45 =	vld [tilespmem:s24+$0x40];
	v14 =	vadd.f32 v39, v38;
	vm4 =	vgt.f32 v42, v9  }
0x129: {  	v46 =	vld [tilespmem:s25+$0x40];
	v9 =	vsel vm4, v42, v9  }
0x12a: {  	v47 =	vld [tilespmem:s24+$0x60];
	v15 =	vadd.f32 v41, v40;
	vm6 =	vgt.f32 v14, v9  }
0x12b: {  	v48 =	vld [tilespmem:s25+$0x60];
	v9 =	vsel vm6, v14, v9  }
0x12c: {  	v49 =	vld [tilespmem:s24+$0x80];
	v11 =	vadd.f32 v44, v43;
	vm7 =	vgt.f32 v15, v9  }
0x12d: {  	v50 =	vld [tilespmem:s25+$0x80];
	v9 =	vsel vm7, v15, v9  }
0x12e: {  	s30 =	sadd.s32 $0xFFFFFFFE, s23;
	v51 =	vld [tilespmem:$0x18D0];
	v10 =	vadd.f32 v46, v45;
	vm8 =	vgt.f32 v11, v9  }
0x12f: {  	s31 =	sadd.s32 $0xFFFFFFFF, s23;
	v52 =	vld [tilespmem:$0x2570];
	v13 =	vsel vm1, s30, v13;
	v9 =	vsel vm8, v11, v9  }
0x130: {  	v53 =	vld [tilespmem:$0x18F0];
	v13 =	vsel vm2, s31, v13;
	v14 =	vadd.f32 v48, v47;
	vm15 =	vgt.f32 v10, v9  }
0x131: {  	s24 =	sadd.s32 $0xFFFFFFF9, s22;
	v54 =	vld [tilespmem:$0x2590];
	v13 =	vsel vm5, s23, v13;
	v9 =	vsel vm15, v10, v9  }
0x132: {  	s25 =	sadd.s32 $0xFFFFFFFA, s22;
	v55 =	vld [tilespmem:$0x1910];
	v13 =	vsel vm3, s24, v13;
	v12 =	vadd.f32 v50, v49;
	vm9 =	vgt.f32 v14, v9  }
0x133: {  	s26 =	sadd.s32 $0xFFFFFFFB, s22;
	v56 =	vld [tilespmem:$0x25B0];
	v13 =	vsel vm4, s25, v13;
	v9 =	vsel vm9, v14, v9  }
0x134: {  	s28 =	sadd.s32 $0xFFFFFFFC, s22;
	v57 =	vld [tilespmem:$0x1930];
	v13 =	vsel vm6, s26, v13;
	v11 =	vadd.f32 v52, v51;
	vm10 =	vgt.f32 v12, v9  }
0x135: {  	s29 =	sadd.s32 $0xFFFFFFFD, s22;
	v58 =	vld [tilespmem:$0x25D0];
	v13 =	vsel vm7, s28, v13;
	v9 =	vsel vm10, v12, v9  }
0x136: {  	s30 =	sadd.s32 $0xFFFFFFFE, s22;
	v13 =	vsel vm8, s29, v13;
	v10 =	vadd.f32 v54, v53;
	vm11 =	vgt.f32 v11, v9  }
0x137: {  	s31 =	sadd.s32 $0xFFFFFFFF, s22;
	v13 =	vsel vm15, s30, v13;
	v9 =	vsel vm11, v11, v9  }
0x138: {  	v60 =	vadd.f32 v56, v55;
	v59 =	vsel vm9, s31, v13;
	vm12 =	vgt.f32 v10, v9  }
0x139: {  	v11 =	vsel vm10, s22, v59;
	v9 =	vsel vm12, v10, v9  }
0x13a: {  	v62 =	vadd.f32 v58, v57;
	v61 =	vsel vm11, $0x61, v11;
	vm13 =	vgt.f32 v60, v9  }
0x13b: {  	v10 =	vsel vm12, $0x62, v61;
	v9 =	vsel vm13, v60, v9  }
0x13c: {  	v10 =	vsel vm13, $0x63, v10;
	vm14 =	vgt.f32 v62, v9  }
0x13d: {  	v10 =	vsel vm14, $0x64, v10  }
0x13e: {  	vm15 =	vne.s32 v10, $0x0;
	v63 =	vshll.u32 v10, $0x5  }
0x13f: {  	v12 =	vor.u32 v3, v63  }
0x140: {  	v8 =	vor.u32 v3, v8  }
.Ltmp7:
0x141: {  	_ = 	snop;
	(pc) =	sbr.rel @p0 .LBB2_14-.Ltmp7, $4  }
0x142: {  	_ = 	snop  }
0x143: {  	v6 =	vsel vm0, v6, v7  }
0x144: {  	v5 =	vsub.f32 v5, v6;
	v7 =	vsel vm14, v62, v9;
	[tilespmem:v12+s15+$0x0] =	vst.idx.msk vm15, v2  }
0x145: {  	v4 =	vsub.f32 v4, v7;
	[tilespmem:v8+s16+$0x0] =	vst.idx.msk $0xffff, v10  }
0x146: {  	s22 =	smul.u32 $0x32800, s21  }
.Ltmp8:
0x147: {  	_ = 	snop;
	(pc) =	sbr.rel .LBB2_4-.Ltmp8, $4  }
0x148: {  	s22 =	sadd.s32 s7, s22  }
0x149: {  	s22 =	sshrl.u32 s22, $0x3  }
0x14a: {  	s21 =	sadd.s32 $0x1, s21;
	s22 =	sadd.s32 s3, s22  }
0x14b: {  	[tilespmem:s13], [sflag:$0x2] =	stream.strided.gather [hbm4b:s22+s11], $0xCA0, s12, s11, $0x38;
	[tilespmem:$0x3280] =	vst v63  }
.LBB2_15:
0x14c: {  	_ =	sfence.sel $0x180000  }
0x14d: {  	[bflag:$0x0] =	sbarrier.arrive $0xFFFF  }
0x14e: {  	p0 =	sne.s32 s1, $0x0;
	_ =	strace $0x90000047  }
0x14f: {  	s0 =	sadd.s32 @!p0 $0x100000, s0;
	[bflag:$0x2] =	sbarrier.arrive $0xFFFF  }
0x150: {  	[sflag:s0] =	ssyncadd.tile.s32 @!p0 $0x1;
	_ =	shalt  }
.Lfunc_end2:
_tile_overlayer_lowered:
.L_overlay_start_2:
0x151: {  	(tag) =	ssettag $0x2  }
0x152: {  	s0 =	rddreg [dreg:$0x0];
	s2 =	stileid.u32  }
0x153: {  	s1 =	rddreg [dreg:$0x1];
	p0 =	sne.s32 s2, $0x0  }
0x154: {  	s3 =	rddreg [dreg:$0x2];
	[bflag:$0x3] =	sbarrier.arrive $0xFFFF;
	s2 =	simm.s32 @!p0 $0x1C03  }
0x155: {  	[timem:s3], [sflag:s2] =	dma.local @!p0 [hbm:s0], s1  }
0x156: {  	s0 =	simm.s32 @!p0 $0x3  }
0x157: {  	_ =	swait.ge @!p0 [sflag:s0], s1  }
0x158: {  	s1 =	ssub.s32 @!p0 $0x0, s1;
	[sflag:s0] =	ssyncset.done @!p0 $0x0  }
0x159: {  	[sflag:s0] =	ssyncadd.s32 @!p0 s1  }
0x15a: {  	[bflag:$0x3] =	sbarrier.arrive $0xFFFF  }
0x15b: {  	_ =	shalt  }

</sc_bundles>
